<compile_context>
chip_gen: v7x
topology: tpu7x:2x2x1
jax: 0.10.2.dev20260603
libtpu: 0.0.44.dev20260713+nightly
codegen_flags: <defaults>
</compile_context>

<pallas_src>
import jax
import jax.numpy as jnp
from jax import lax
from jax.experimental import pallas as pl
from jax.experimental.pallas import tpu as pltpu
from jax.experimental.pallas import tpu_sc as plsc

H, W, D = 16384, 20, 64
S = 2 * W
OUT_W = W * D + S
NC, NS = 2, 16
NW = NC * NS
RPW = H // NW
HS = RPW // 2


def _body(x_hbm, idxt_hbm, da_hbm, out_hbm, idx_v, rows0, rows1, rows2,
          da_v, sg0, sg1, sg2, sw0, sw1, sw2):
  wid = lax.axis_index("s") * NC + lax.axis_index("c")
  wbase = wid * RPW
  bufs = (rows0, rows1, rows2)
  gsems = (sg0, sg1, sg2)
  wsems = (sw0, sw1, sw2)
  pltpu.sync_copy(idxt_hbm.at[:, pl.ds(wbase, RPW)], idx_v)

  def gather(j, b):
    pltpu.async_copy(x_hbm.at[idx_v.at[j]], bufs[b], gsems[b])

  def wdesc(j, b):
    col = pl.multiple_of(j * D, D)
    return pltpu.make_async_copy(
        bufs[b], out_hbm.at[pl.ds(wbase, RPW), pl.ds(col, D)], wsems[b])

  gather(0, 0)
  gather(1, 1)
  for h in range(2):
    pltpu.sync_copy(da_hbm.at[pl.ds(wbase + h * HS, HS), :], da_v)
    pltpu.sync_copy(
        da_v, out_hbm.at[pl.ds(wbase + h * HS, HS), pl.ds(W * D, S)])

  def step(j, t):
    pltpu.make_async_copy(x_hbm.at[idx_v.at[j]], bufs[t], gsems[t]).wait()
    wdesc(j, t).start()
    t2 = (t + 2) % 3

    @pl.when(j >= 1)
    def _():
      wdesc(j - 1, t2).wait()

    gather(j + 2, t2)

  def trip(g, carry):
    for t in range(3):
      step(3 * g + t, t)
    return carry

  lax.fori_loop(0, (W - 2) // 3, trip, 0)
  pltpu.make_async_copy(x_hbm.at[idx_v.at[W - 2]], bufs[0], sg0).wait()
  wdesc(W - 2, 0).start()
  pltpu.make_async_copy(x_hbm.at[idx_v.at[W - 1]], bufs[1], sg1).wait()
  wdesc(W - 1, 1).start()
  wdesc(W - 3, 2).wait()
  wdesc(W - 2, 0).wait()
  wdesc(W - 1, 1).wait()


@jax.jit
def _run(x, idxt, da):
  mesh = plsc.VectorSubcoreMesh(core_axis_name="c", subcore_axis_name="s")
  return pl.kernel(
      _body,
      out_type=jax.ShapeDtypeStruct((H, OUT_W), jnp.float32),
      mesh=mesh,
      scratch_types=[
          pltpu.VMEM((W, RPW), jnp.int32),
          pltpu.VMEM((RPW, D), jnp.float32),
          pltpu.VMEM((RPW, D), jnp.float32),
          pltpu.VMEM((RPW, D), jnp.float32),
          pltpu.VMEM((HS, S), jnp.float32),
          pltpu.SemaphoreType.DMA,
          pltpu.SemaphoreType.DMA,
          pltpu.SemaphoreType.DMA,
          pltpu.SemaphoreType.DMA,
          pltpu.SemaphoreType.DMA,
          pltpu.SemaphoreType.DMA,
      ],
      compiler_params=pltpu.CompilerParams(use_tc_tiling_on_sc=False),
  )(x, idxt, da)


def kernel(x, idx, dis, angle_t):
  idxt = idx.astype(jnp.int32).T
  da = jnp.concatenate([dis, angle_t], axis=1)
  return _run(x, idxt, da)

# --- scband reference (transcript-rebuilt; emitter-appended) ---
"""Pipeline reference for scband-idx-layer-58514634441007 (READ-ONLY COPY).

The authoritative reference and input builder live on the scoring server;
editing this copy changes nothing except your own understanding.
"""

import jax, jax.numpy as jnp
import numpy as np


def setup_inputs(seed: int = 0) -> dict:
    key = jax.random.key(seed)
    k1, k2, k3, k4 = jax.random.split(key, 4)
    x = jax.random.normal(k1, (100000, 64), dtype=jnp.float32)
    idx = jax.random.randint(k2, (16384, 20), 0, 100000, dtype=jnp.int64)
    dis = jax.random.normal(k3, (16384, 20), dtype=jnp.float32)
    angle_t = jax.random.normal(k4, (16384, 20), dtype=jnp.float32)
    return {"x": x, "idx": idx, "dis": dis, "angle_t": angle_t}


def reference(x, idx, dis, angle_t):
    h, w = idx.shape
    x1 = jnp.take(x, idx.reshape(-1), axis=0).reshape(h, -1)
    dis_ = dis.reshape(h, -1)
    angle = angle_t.reshape(h, -1)
    out = jnp.concatenate((x1, dis_, angle), axis=1)
    return out

if __name__ == "__main__":
    import jax
    _d = setup_inputs()
    print(jax.jit(kernel)(*tuple(_d.values())))

</pallas_src>

<mosaic_0001>
#map = affine_map<(d0, d1) -> (0, 0)>
module attributes {stable_mosaic.version = 14 : i64} {
  func.func @_body(%arg0: i32, %arg1: i32, %arg2: memref<100000x64xf32, #tpu.memory_space<hbm>>, %arg3: memref<20x16384xi32, #tpu.memory_space<hbm>>, %arg4: memref<16384x40xf32, #tpu.memory_space<hbm>>, %arg5: memref<16384x1320xf32, #tpu.memory_space<hbm>>, %arg6: memref<20x512xi32, #tpu.memory_space<vmem>>, %arg7: memref<512x64xf32, #tpu.memory_space<vmem>>, %arg8: memref<512x64xf32, #tpu.memory_space<vmem>>, %arg9: memref<512x64xf32, #tpu.memory_space<vmem>>, %arg10: memref<256x40xf32, #tpu.memory_space<vmem>>, %arg11: memref<!tpu.dma_semaphore, #tpu.memory_space<semaphore_mem>>, %arg12: memref<!tpu.dma_semaphore, #tpu.memory_space<semaphore_mem>>, %arg13: memref<!tpu.dma_semaphore, #tpu.memory_space<semaphore_mem>>, %arg14: memref<!tpu.dma_semaphore, #tpu.memory_space<semaphore_mem>>, %arg15: memref<!tpu.dma_semaphore, #tpu.memory_space<semaphore_mem>>, %arg16: memref<!tpu.dma_semaphore, #tpu.memory_space<semaphore_mem>>) attributes {dimension_semantics = [#tpu.dimension_semantics<core_parallel>, #tpu.dimension_semantics<subcore_parallel>], iteration_bounds = array<i64: 2, 16>, scalar_prefetch = 0 : i64, scratch_operands = 11 : i64, tpu.core_type = #tpu.core_type<sc_vector_subcore>, window_params = [{transform_indices = #map}, {transform_indices = #map}, {transform_indices = #map}, {transform_indices = #map}]} {
    %mul3A = arith.constant 2 : i32
    %mul3A_0 = arith.muli %arg1, %mul3A : i32
    %add3A = arith.addi %mul3A_0, %arg0 : i32
    %mul3A_1 = arith.constant 512 : i32
    %mul3A_2 = arith.muli %add3A, %mul3A_1 : i32
    "tpu.region"() ({
      %run_scoped3A = tpu.sem_alloc : memref<!tpu.dma_semaphore, #tpu.memory_space<semaphore_mem>>
      %dma_start3A_61 = arith.constant 0 : i32
      %dma_start3A_62 = tpu.memref_slice %arg3[%dma_start3A_61, %mul3A_2] : memref<20x16384xi32, #tpu.memory_space<hbm>> -> memref<20x512xi32, #tpu.memory_space<hbm>>
      %dma_start3A_63 = arith.constant 0 : i32
      %dma_start3A_64 = tpu.memref_slice %arg3[%dma_start3A_63, %mul3A_2] : memref<20x16384xi32, #tpu.memory_space<hbm>> -> memref<20x512xi32, #tpu.memory_space<hbm>>
      tpu.enqueue_dma source(%dma_start3A_64 : memref<20x512xi32, #tpu.memory_space<hbm>>) target(%arg6 : memref<20x512xi32, #tpu.memory_space<vmem>>) target_semaphore(%run_scoped3A : memref<!tpu.dma_semaphore, #tpu.memory_space<semaphore_mem>>)
      %dma_wait3A_65 = arith.constant 0 : i32
      %dma_wait3A_66 = tpu.memref_slice %arg3[%dma_wait3A_65, %mul3A_2] : memref<20x16384xi32, #tpu.memory_space<hbm>> -> memref<20x512xi32, #tpu.memory_space<hbm>>
      %dma_wait3A_67 = arith.constant 0 : i32
      %dma_wait3A_68 = tpu.memref_slice %arg3[%dma_wait3A_67, %mul3A_2] : memref<20x16384xi32, #tpu.memory_space<hbm>> -> memref<20x512xi32, #tpu.memory_space<hbm>>
      tpu.wait_dma2 semaphore(%run_scoped3A : memref<!tpu.dma_semaphore, #tpu.memory_space<semaphore_mem>>) src(%dma_wait3A_68 : memref<20x512xi32, #tpu.memory_space<hbm>>) dst(%arg6 : memref<20x512xi32, #tpu.memory_space<vmem>>)
      tpu.yield
    }) : () -> ()
    %dma_start3A = arith.constant 0 : i32
    %dma_start3A_3 = arith.constant 0 : i32
    %dma_start3A_4 = tpu.memref_slice %arg6[%dma_start3A, %dma_start3A_3] : memref<20x512xi32, #tpu.memory_space<vmem>> -> memref<1x512xi32, #tpu.memory_space<vmem>>
    %dma_start3A_5 = tpu.memref_squeeze %dma_start3A_4 : memref<1x512xi32, #tpu.memory_space<vmem>> -> memref<512xi32, #tpu.memory_space<vmem>>
    %dma_start3A_6 = arith.constant 0 : i32
    %dma_start3A_7 = arith.constant 0 : i32
    %dma_start3A_8 = tpu.memref_slice %arg2[%dma_start3A_6, %dma_start3A_7] : memref<100000x64xf32, #tpu.memory_space<hbm>> -> memref<100000x64xf32, #tpu.memory_space<hbm>>
    tpu.enqueue_indirect_dma source(%dma_start3A_8 : memref<100000x64xf32, #tpu.memory_space<hbm>>) target(%arg7 : memref<512x64xf32, #tpu.memory_space<vmem>>) offsets(%dma_start3A_5 : memref<512xi32, #tpu.memory_space<vmem>>) semaphore(%arg11 : memref<!tpu.dma_semaphore, #tpu.memory_space<semaphore_mem>>)
    %dma_start3A_9 = arith.constant 1 : i32
    %dma_start3A_10 = arith.constant 0 : i32
    %dma_start3A_11 = tpu.memref_slice %arg6[%dma_start3A_9, %dma_start3A_10] : memref<20x512xi32, #tpu.memory_space<vmem>> -> memref<1x512xi32, #tpu.memory_space<vmem>>
    %dma_start3A_12 = tpu.memref_squeeze %dma_start3A_11 : memref<1x512xi32, #tpu.memory_space<vmem>> -> memref<512xi32, #tpu.memory_space<vmem>>
    %dma_start3A_13 = arith.constant 0 : i32
    %dma_start3A_14 = arith.constant 0 : i32
    %dma_start3A_15 = tpu.memref_slice %arg2[%dma_start3A_13, %dma_start3A_14] : memref<100000x64xf32, #tpu.memory_space<hbm>> -> memref<100000x64xf32, #tpu.memory_space<hbm>>
    tpu.enqueue_indirect_dma source(%dma_start3A_15 : memref<100000x64xf32, #tpu.memory_space<hbm>>) target(%arg8 : memref<512x64xf32, #tpu.memory_space<vmem>>) offsets(%dma_start3A_12 : memref<512xi32, #tpu.memory_space<vmem>>) semaphore(%arg12 : memref<!tpu.dma_semaphore, #tpu.memory_space<semaphore_mem>>)
    %add3A_16 = arith.constant 0 : i32
    %add3A_17 = arith.addi %mul3A_2, %add3A_16 : i32
    "tpu.region"() ({
      %run_scoped3A = tpu.sem_alloc : memref<!tpu.dma_semaphore, #tpu.memory_space<semaphore_mem>>
      %dma_start3A_61 = arith.constant 0 : i32
      %dma_start3A_62 = tpu.memref_slice %arg4[%add3A_17, %dma_start3A_61] : memref<16384x40xf32, #tpu.memory_space<hbm>> -> memref<256x40xf32, #tpu.memory_space<hbm>>
      %dma_start3A_63 = arith.constant 0 : i32
      %dma_start3A_64 = tpu.memref_slice %arg4[%add3A_17, %dma_start3A_63] : memref<16384x40xf32, #tpu.memory_space<hbm>> -> memref<256x40xf32, #tpu.memory_space<hbm>>
      tpu.enqueue_dma source(%dma_start3A_64 : memref<256x40xf32, #tpu.memory_space<hbm>>) target(%arg10 : memref<256x40xf32, #tpu.memory_space<vmem>>) target_semaphore(%run_scoped3A : memref<!tpu.dma_semaphore, #tpu.memory_space<semaphore_mem>>)
      %dma_wait3A_65 = arith.constant 0 : i32
      %dma_wait3A_66 = tpu.memref_slice %arg4[%add3A_17, %dma_wait3A_65] : memref<16384x40xf32, #tpu.memory_space<hbm>> -> memref<256x40xf32, #tpu.memory_space<hbm>>
      %dma_wait3A_67 = arith.constant 0 : i32
      %dma_wait3A_68 = tpu.memref_slice %arg4[%add3A_17, %dma_wait3A_67] : memref<16384x40xf32, #tpu.memory_space<hbm>> -> memref<256x40xf32, #tpu.memory_space<hbm>>
      tpu.wait_dma2 semaphore(%run_scoped3A : memref<!tpu.dma_semaphore, #tpu.memory_space<semaphore_mem>>) src(%dma_wait3A_68 : memref<256x40xf32, #tpu.memory_space<hbm>>) dst(%arg10 : memref<256x40xf32, #tpu.memory_space<vmem>>)
      tpu.yield
    }) : () -> ()
    %add3A_18 = arith.constant 0 : i32
    %add3A_19 = arith.addi %mul3A_2, %add3A_18 : i32
    "tpu.region"() ({
      %run_scoped3A = tpu.sem_alloc : memref<!tpu.dma_semaphore, #tpu.memory_space<semaphore_mem>>
      %dma_start3A_61 = arith.constant 1280 : i32
      %dma_start3A_62 = tpu.memref_slice %arg5[%add3A_19, %dma_start3A_61] : memref<16384x1320xf32, #tpu.memory_space<hbm>> -> memref<256x40xf32, #tpu.memory_space<hbm>>
      %dma_start3A_63 = arith.constant 1280 : i32
      %dma_start3A_64 = tpu.memref_slice %arg5[%add3A_19, %dma_start3A_63] : memref<16384x1320xf32, #tpu.memory_space<hbm>> -> memref<256x40xf32, #tpu.memory_space<hbm>>
      tpu.enqueue_dma source(%arg10 : memref<256x40xf32, #tpu.memory_space<vmem>>) target(%dma_start3A_64 : memref<256x40xf32, #tpu.memory_space<hbm>>) target_semaphore(%run_scoped3A : memref<!tpu.dma_semaphore, #tpu.memory_space<semaphore_mem>>)
      %dma_wait3A_65 = arith.constant 1280 : i32
      %dma_wait3A_66 = tpu.memref_slice %arg5[%add3A_19, %dma_wait3A_65] : memref<16384x1320xf32, #tpu.memory_space<hbm>> -> memref<256x40xf32, #tpu.memory_space<hbm>>
      %dma_wait3A_67 = arith.constant 1280 : i32
      %dma_wait3A_68 = tpu.memref_slice %arg5[%add3A_19, %dma_wait3A_67] : memref<16384x1320xf32, #tpu.memory_space<hbm>> -> memref<256x40xf32, #tpu.memory_space<hbm>>
      tpu.wait_dma2 semaphore(%run_scoped3A : memref<!tpu.dma_semaphore, #tpu.memory_space<semaphore_mem>>) src(%arg10 : memref<256x40xf32, #tpu.memory_space<vmem>>) dst(%dma_wait3A_68 : memref<256x40xf32, #tpu.memory_space<hbm>>)
      tpu.yield
    }) : () -> ()
    %add3A_20 = arith.constant 256 : i32
    %add3A_21 = arith.addi %mul3A_2, %add3A_20 : i32
    "tpu.region"() ({
      %run_scoped3A = tpu.sem_alloc : memref<!tpu.dma_semaphore, #tpu.memory_space<semaphore_mem>>
      %dma_start3A_61 = arith.constant 0 : i32
      %dma_start3A_62 = tpu.memref_slice %arg4[%add3A_21, %dma_start3A_61] : memref<16384x40xf32, #tpu.memory_space<hbm>> -> memref<256x40xf32, #tpu.memory_space<hbm>>
      %dma_start3A_63 = arith.constant 0 : i32
      %dma_start3A_64 = tpu.memref_slice %arg4[%add3A_21, %dma_start3A_63] : memref<16384x40xf32, #tpu.memory_space<hbm>> -> memref<256x40xf32, #tpu.memory_space<hbm>>
      tpu.enqueue_dma source(%dma_start3A_64 : memref<256x40xf32, #tpu.memory_space<hbm>>) target(%arg10 : memref<256x40xf32, #tpu.memory_space<vmem>>) target_semaphore(%run_scoped3A : memref<!tpu.dma_semaphore, #tpu.memory_space<semaphore_mem>>)
      %dma_wait3A_65 = arith.constant 0 : i32
      %dma_wait3A_66 = tpu.memref_slice %arg4[%add3A_21, %dma_wait3A_65] : memref<16384x40xf32, #tpu.memory_space<hbm>> -> memref<256x40xf32, #tpu.memory_space<hbm>>
      %dma_wait3A_67 = arith.constant 0 : i32
      %dma_wait3A_68 = tpu.memref_slice %arg4[%add3A_21, %dma_wait3A_67] : memref<16384x40xf32, #tpu.memory_space<hbm>> -> memref<256x40xf32, #tpu.memory_space<hbm>>
      tpu.wait_dma2 semaphore(%run_scoped3A : memref<!tpu.dma_semaphore, #tpu.memory_space<semaphore_mem>>) src(%dma_wait3A_68 : memref<256x40xf32, #tpu.memory_space<hbm>>) dst(%arg10 : memref<256x40xf32, #tpu.memory_space<vmem>>)
      tpu.yield
    }) : () -> ()
    %add3A_22 = arith.constant 256 : i32
    %add3A_23 = arith.addi %mul3A_2, %add3A_22 : i32
    "tpu.region"() ({
      %run_scoped3A = tpu.sem_alloc : memref<!tpu.dma_semaphore, #tpu.memory_space<semaphore_mem>>
      %dma_start3A_61 = arith.constant 1280 : i32
      %dma_start3A_62 = tpu.memref_slice %arg5[%add3A_23, %dma_start3A_61] : memref<16384x1320xf32, #tpu.memory_space<hbm>> -> memref<256x40xf32, #tpu.memory_space<hbm>>
      %dma_start3A_63 = arith.constant 1280 : i32
      %dma_start3A_64 = tpu.memref_slice %arg5[%add3A_23, %dma_start3A_63] : memref<16384x1320xf32, #tpu.memory_space<hbm>> -> memref<256x40xf32, #tpu.memory_space<hbm>>
      tpu.enqueue_dma source(%arg10 : memref<256x40xf32, #tpu.memory_space<vmem>>) target(%dma_start3A_64 : memref<256x40xf32, #tpu.memory_space<hbm>>) target_semaphore(%run_scoped3A : memref<!tpu.dma_semaphore, #tpu.memory_space<semaphore_mem>>)
      %dma_wait3A_65 = arith.constant 1280 : i32
      %dma_wait3A_66 = tpu.memref_slice %arg5[%add3A_23, %dma_wait3A_65] : memref<16384x1320xf32, #tpu.memory_space<hbm>> -> memref<256x40xf32, #tpu.memory_space<hbm>>
      %dma_wait3A_67 = arith.constant 1280 : i32
      %dma_wait3A_68 = tpu.memref_slice %arg5[%add3A_23, %dma_wait3A_67] : memref<16384x1320xf32, #tpu.memory_space<hbm>> -> memref<256x40xf32, #tpu.memory_space<hbm>>
      tpu.wait_dma2 semaphore(%run_scoped3A : memref<!tpu.dma_semaphore, #tpu.memory_space<semaphore_mem>>) src(%arg10 : memref<256x40xf32, #tpu.memory_space<vmem>>) dst(%dma_wait3A_68 : memref<256x40xf32, #tpu.memory_space<hbm>>)
      tpu.yield
    }) : () -> ()
    %scan3A = arith.constant 0 : i32
    %scan3A_24 = arith.constant 0 : i32
    %scan3A_25 = arith.constant 6 : i32
    %scan3A_26 = arith.addi %scan3A_24, %scan3A_25 : i32
    %scan3A_27 = arith.constant 1 : i32
    scf.for %scan3A_61 = %scan3A_24 to %scan3A_26 step %scan3A_27  : i32 {
      %mul3A_62 = arith.constant 3 : i32
      %mul3A_63 = arith.muli %mul3A_62, %scan3A_61 : i32
      %add3A_64 = arith.constant 0 : i32
      %add3A_65 = arith.addi %mul3A_63, %add3A_64 : i32
      %dma_wait3A_66 = arith.constant 0 : i32
      %dma_wait3A_67 = tpu.memref_slice %arg6[%add3A_65, %dma_wait3A_66] : memref<20x512xi32, #tpu.memory_space<vmem>> -> memref<1x512xi32, #tpu.memory_space<vmem>>
      %dma_wait3A_68 = tpu.memref_squeeze %dma_wait3A_67 : memref<1x512xi32, #tpu.memory_space<vmem>> -> memref<512xi32, #tpu.memory_space<vmem>>
      %dma_wait3A_69 = arith.constant 0 : i32
      %dma_wait3A_70 = arith.constant 0 : i32
      %dma_wait3A_71 = tpu.memref_slice %arg2[%dma_wait3A_69, %dma_wait3A_70] : memref<100000x64xf32, #tpu.memory_space<hbm>> -> memref<100000x64xf32, #tpu.memory_space<hbm>>
      tpu.wait_indirect_dma semaphore(%arg11 : memref<!tpu.dma_semaphore, #tpu.memory_space<semaphore_mem>>) src(%dma_wait3A_71 : memref<100000x64xf32, #tpu.memory_space<hbm>>) dst(%arg7 : memref<512x64xf32, #tpu.memory_space<vmem>>)
      %mul3A_72 = arith.constant 64 : i32
      %mul3A_73 = arith.muli %add3A_65, %mul3A_72 : i32
      %multiple_of3A_74 = tpu.assume_multiple %mul3A_73, 64 : i32
      %dma_start3A_75 = tpu.memref_slice %arg5[%mul3A_2, %multiple_of3A_74] : memref<16384x1320xf32, #tpu.memory_space<hbm>> -> memref<512x64xf32, #tpu.memory_space<hbm>>
      %dma_start3A_76 = tpu.memref_slice %arg5[%mul3A_2, %multiple_of3A_74] : memref<16384x1320xf32, #tpu.memory_space<hbm>> -> memref<512x64xf32, #tpu.memory_space<hbm>>
      tpu.enqueue_dma source(%arg7 : memref<512x64xf32, #tpu.memory_space<vmem>>) target(%dma_start3A_76 : memref<512x64xf32, #tpu.memory_space<hbm>>) target_semaphore(%arg14 : memref<!tpu.dma_semaphore, #tpu.memory_space<semaphore_mem>>)
      %ge3A = arith.constant 1 : i32
      %ge3A_77 = arith.cmpi sge, %add3A_65, %ge3A : i32
      %convert_element_type3A = arith.extui %ge3A_77 : i1 to i32
      %cond3A = arith.constant 0 : i32
      %cond3A_78 = arith.cmpi ne, %convert_element_type3A, %cond3A : i32
      scf.if %cond3A_78 {
        %sub3A = arith.constant 1 : i32
        %sub3A_143 = arith.subi %add3A_65, %sub3A : i32
        %mul3A_144 = arith.constant 64 : i32
        %mul3A_145 = arith.muli %sub3A_143, %mul3A_144 : i32
        %multiple_of3A_146 = tpu.assume_multiple %mul3A_145, 64 : i32
        %dma_wait3A_147 = tpu.memref_slice %arg5[%mul3A_2, %multiple_of3A_146] : memref<16384x1320xf32, #tpu.memory_space<hbm>> -> memref<512x64xf32, #tpu.memory_space<hbm>>
        %dma_wait3A_148 = tpu.memref_slice %arg5[%mul3A_2, %multiple_of3A_146] : memref<16384x1320xf32, #tpu.memory_space<hbm>> -> memref<512x64xf32, #tpu.memory_space<hbm>>
        tpu.wait_dma2 semaphore(%arg16 : memref<!tpu.dma_semaphore, #tpu.memory_space<semaphore_mem>>) src(%arg9 : memref<512x64xf32, #tpu.memory_space<vmem>>) dst(%dma_wait3A_148 : memref<512x64xf32, #tpu.memory_space<hbm>>)
      } else {
      }
      %add3A_79 = arith.constant 2 : i32
      %add3A_80 = arith.addi %add3A_65, %add3A_79 : i32
      %dma_start3A_81 = arith.constant 0 : i32
      %dma_start3A_82 = tpu.memref_slice %arg6[%add3A_80, %dma_start3A_81] : memref<20x512xi32, #tpu.memory_space<vmem>> -> memref<1x512xi32, #tpu.memory_space<vmem>>
      %dma_start3A_83 = tpu.memref_squeeze %dma_start3A_82 : memref<1x512xi32, #tpu.memory_space<vmem>> -> memref<512xi32, #tpu.memory_space<vmem>>
      %dma_start3A_84 = arith.constant 0 : i32
      %dma_start3A_85 = arith.constant 0 : i32
      %dma_start3A_86 = tpu.memref_slice %arg2[%dma_start3A_84, %dma_start3A_85] : memref<100000x64xf32, #tpu.memory_space<hbm>> -> memref<100000x64xf32, #tpu.memory_space<hbm>>
      tpu.enqueue_indirect_dma source(%dma_start3A_86 : memref<100000x64xf32, #tpu.memory_space<hbm>>) target(%arg9 : memref<512x64xf32, #tpu.memory_space<vmem>>) offsets(%dma_start3A_83 : memref<512xi32, #tpu.memory_space<vmem>>) semaphore(%arg13 : memref<!tpu.dma_semaphore, #tpu.memory_space<semaphore_mem>>)
      %mul3A_87 = arith.constant 3 : i32
      %mul3A_88 = arith.muli %mul3A_87, %scan3A_61 : i32
      %add3A_89 = arith.constant 1 : i32
      %add3A_90 = arith.addi %mul3A_88, %add3A_89 : i32
      %dma_wait3A_91 = arith.constant 0 : i32
      %dma_wait3A_92 = tpu.memref_slice %arg6[%add3A_90, %dma_wait3A_91] : memref<20x512xi32, #tpu.memory_space<vmem>> -> memref<1x512xi32, #tpu.memory_space<vmem>>
      %dma_wait3A_93 = tpu.memref_squeeze %dma_wait3A_92 : memref<1x512xi32, #tpu.memory_space<vmem>> -> memref<512xi32, #tpu.memory_space<vmem>>
      %dma_wait3A_94 = arith.constant 0 : i32
      %dma_wait3A_95 = arith.constant 0 : i32
      %dma_wait3A_96 = tpu.memref_slice %arg2[%dma_wait3A_94, %dma_wait3A_95] : memref<100000x64xf32, #tpu.memory_space<hbm>> -> memref<100000x64xf32, #tpu.memory_space<hbm>>
      tpu.wait_indirect_dma semaphore(%arg12 : memref<!tpu.dma_semaphore, #tpu.memory_space<semaphore_mem>>) src(%dma_wait3A_96 : memref<100000x64xf32, #tpu.memory_space<hbm>>) dst(%arg8 : memref<512x64xf32, #tpu.memory_space<vmem>>)
      %mul3A_97 = arith.constant 64 : i32
      %mul3A_98 = arith.muli %add3A_90, %mul3A_97 : i32
      %multiple_of3A_99 = tpu.assume_multiple %mul3A_98, 64 : i32
      %dma_start3A_100 = tpu.memref_slice %arg5[%mul3A_2, %multiple_of3A_99] : memref<16384x1320xf32, #tpu.memory_space<hbm>> -> memref<512x64xf32, #tpu.memory_space<hbm>>
      %dma_start3A_101 = tpu.memref_slice %arg5[%mul3A_2, %multiple_of3A_99] : memref<16384x1320xf32, #tpu.memory_space<hbm>> -> memref<512x64xf32, #tpu.memory_space<hbm>>
      tpu.enqueue_dma source(%arg8 : memref<512x64xf32, #tpu.memory_space<vmem>>) target(%dma_start3A_101 : memref<512x64xf32, #tpu.memory_space<hbm>>) target_semaphore(%arg15 : memref<!tpu.dma_semaphore, #tpu.memory_space<semaphore_mem>>)
      %ge3A_102 = arith.constant 1 : i32
      %ge3A_103 = arith.cmpi sge, %add3A_90, %ge3A_102 : i32
      %convert_element_type3A_104 = arith.extui %ge3A_103 : i1 to i32
      %cond3A_105 = arith.constant 0 : i32
      %cond3A_106 = arith.cmpi ne, %convert_element_type3A_104, %cond3A_105 : i32
      scf.if %cond3A_106 {
        %sub3A = arith.constant 1 : i32
        %sub3A_143 = arith.subi %add3A_90, %sub3A : i32
        %mul3A_144 = arith.constant 64 : i32
        %mul3A_145 = arith.muli %sub3A_143, %mul3A_144 : i32
        %multiple_of3A_146 = tpu.assume_multiple %mul3A_145, 64 : i32
        %dma_wait3A_147 = tpu.memref_slice %arg5[%mul3A_2, %multiple_of3A_146] : memref<16384x1320xf32, #tpu.memory_space<hbm>> -> memref<512x64xf32, #tpu.memory_space<hbm>>
        %dma_wait3A_148 = tpu.memref_slice %arg5[%mul3A_2, %multiple_of3A_146] : memref<16384x1320xf32, #tpu.memory_space<hbm>> -> memref<512x64xf32, #tpu.memory_space<hbm>>
        tpu.wait_dma2 semaphore(%arg14 : memref<!tpu.dma_semaphore, #tpu.memory_space<semaphore_mem>>) src(%arg7 : memref<512x64xf32, #tpu.memory_space<vmem>>) dst(%dma_wait3A_148 : memref<512x64xf32, #tpu.memory_space<hbm>>)
      } else {
      }
      %add3A_107 = arith.constant 2 : i32
      %add3A_108 = arith.addi %add3A_90, %add3A_107 : i32
      %dma_start3A_109 = arith.constant 0 : i32
      %dma_start3A_110 = tpu.memref_slice %arg6[%add3A_108, %dma_start3A_109] : memref<20x512xi32, #tpu.memory_space<vmem>> -> memref<1x512xi32, #tpu.memory_space<vmem>>
      %dma_start3A_111 = tpu.memref_squeeze %dma_start3A_110 : memref<1x512xi32, #tpu.memory_space<vmem>> -> memref<512xi32, #tpu.memory_space<vmem>>
      %dma_start3A_112 = arith.constant 0 : i32
      %dma_start3A_113 = arith.constant 0 : i32
      %dma_start3A_114 = tpu.memref_slice %arg2[%dma_start3A_112, %dma_start3A_113] : memref<100000x64xf32, #tpu.memory_space<hbm>> -> memref<100000x64xf32, #tpu.memory_space<hbm>>
      tpu.enqueue_indirect_dma source(%dma_start3A_114 : memref<100000x64xf32, #tpu.memory_space<hbm>>) target(%arg7 : memref<512x64xf32, #tpu.memory_space<vmem>>) offsets(%dma_start3A_111 : memref<512xi32, #tpu.memory_space<vmem>>) semaphore(%arg11 : memref<!tpu.dma_semaphore, #tpu.memory_space<semaphore_mem>>)
      %mul3A_115 = arith.constant 3 : i32
      %mul3A_116 = arith.muli %mul3A_115, %scan3A_61 : i32
      %add3A_117 = arith.constant 2 : i32
      %add3A_118 = arith.addi %mul3A_116, %add3A_117 : i32
      %dma_wait3A_119 = arith.constant 0 : i32
      %dma_wait3A_120 = tpu.memref_slice %arg6[%add3A_118, %dma_wait3A_119] : memref<20x512xi32, #tpu.memory_space<vmem>> -> memref<1x512xi32, #tpu.memory_space<vmem>>
      %dma_wait3A_121 = tpu.memref_squeeze %dma_wait3A_120 : memref<1x512xi32, #tpu.memory_space<vmem>> -> memref<512xi32, #tpu.memory_space<vmem>>
      %dma_wait3A_122 = arith.constant 0 : i32
      %dma_wait3A_123 = arith.constant 0 : i32
      %dma_wait3A_124 = tpu.memref_slice %arg2[%dma_wait3A_122, %dma_wait3A_123] : memref<100000x64xf32, #tpu.memory_space<hbm>> -> memref<100000x64xf32, #tpu.memory_space<hbm>>
      tpu.wait_indirect_dma semaphore(%arg13 : memref<!tpu.dma_semaphore, #tpu.memory_space<semaphore_mem>>) src(%dma_wait3A_124 : memref<100000x64xf32, #tpu.memory_space<hbm>>) dst(%arg9 : memref<512x64xf32, #tpu.memory_space<vmem>>)
      %mul3A_125 = arith.constant 64 : i32
      %mul3A_126 = arith.muli %add3A_118, %mul3A_125 : i32
      %multiple_of3A_127 = tpu.assume_multiple %mul3A_126, 64 : i32
      %dma_start3A_128 = tpu.memref_slice %arg5[%mul3A_2, %multiple_of3A_127] : memref<16384x1320xf32, #tpu.memory_space<hbm>> -> memref<512x64xf32, #tpu.memory_space<hbm>>
      %dma_start3A_129 = tpu.memref_slice %arg5[%mul3A_2, %multiple_of3A_127] : memref<16384x1320xf32, #tpu.memory_space<hbm>> -> memref<512x64xf32, #tpu.memory_space<hbm>>
      tpu.enqueue_dma source(%arg9 : memref<512x64xf32, #tpu.memory_space<vmem>>) target(%dma_start3A_129 : memref<512x64xf32, #tpu.memory_space<hbm>>) target_semaphore(%arg16 : memref<!tpu.dma_semaphore, #tpu.memory_space<semaphore_mem>>)
      %ge3A_130 = arith.constant 1 : i32
      %ge3A_131 = arith.cmpi sge, %add3A_118, %ge3A_130 : i32
      %convert_element_type3A_132 = arith.extui %ge3A_131 : i1 to i32
      %cond3A_133 = arith.constant 0 : i32
      %cond3A_134 = arith.cmpi ne, %convert_element_type3A_132, %cond3A_133 : i32
      scf.if %cond3A_134 {
        %sub3A = arith.constant 1 : i32
        %sub3A_143 = arith.subi %add3A_118, %sub3A : i32
        %mul3A_144 = arith.constant 64 : i32
        %mul3A_145 = arith.muli %sub3A_143, %mul3A_144 : i32
        %multiple_of3A_146 = tpu.assume_multiple %mul3A_145, 64 : i32
        %dma_wait3A_147 = tpu.memref_slice %arg5[%mul3A_2, %multiple_of3A_146] : memref<16384x1320xf32, #tpu.memory_space<hbm>> -> memref<512x64xf32, #tpu.memory_space<hbm>>
        %dma_wait3A_148 = tpu.memref_slice %arg5[%mul3A_2, %multiple_of3A_146] : memref<16384x1320xf32, #tpu.memory_space<hbm>> -> memref<512x64xf32, #tpu.memory_space<hbm>>
        tpu.wait_dma2 semaphore(%arg15 : memref<!tpu.dma_semaphore, #tpu.memory_space<semaphore_mem>>) src(%arg8 : memref<512x64xf32, #tpu.memory_space<vmem>>) dst(%dma_wait3A_148 : memref<512x64xf32, #tpu.memory_space<hbm>>)
      } else {
      }
      %add3A_135 = arith.constant 2 : i32
      %add3A_136 = arith.addi %add3A_118, %add3A_135 : i32
      %dma_start3A_137 = arith.constant 0 : i32
      %dma_start3A_138 = tpu.memref_slice %arg6[%add3A_136, %dma_start3A_137] : memref<20x512xi32, #tpu.memory_space<vmem>> -> memref<1x512xi32, #tpu.memory_space<vmem>>
      %dma_start3A_139 = tpu.memref_squeeze %dma_start3A_138 : memref<1x512xi32, #tpu.memory_space<vmem>> -> memref<512xi32, #tpu.memory_space<vmem>>
      %dma_start3A_140 = arith.constant 0 : i32
      %dma_start3A_141 = arith.constant 0 : i32
      %dma_start3A_142 = tpu.memref_slice %arg2[%dma_start3A_140, %dma_start3A_141] : memref<100000x64xf32, #tpu.memory_space<hbm>> -> memref<100000x64xf32, #tpu.memory_space<hbm>>
      tpu.enqueue_indirect_dma source(%dma_start3A_142 : memref<100000x64xf32, #tpu.memory_space<hbm>>) target(%arg8 : memref<512x64xf32, #tpu.memory_space<vmem>>) offsets(%dma_start3A_139 : memref<512xi32, #tpu.memory_space<vmem>>) semaphore(%arg12 : memref<!tpu.dma_semaphore, #tpu.memory_space<semaphore_mem>>)
    }
    %scan3A_28 = arith.constant 6 : i32
    %dma_wait3A = arith.constant 18 : i32
    %dma_wait3A_29 = arith.constant 0 : i32
    %dma_wait3A_30 = tpu.memref_slice %arg6[%dma_wait3A, %dma_wait3A_29] : memref<20x512xi32, #tpu.memory_space<vmem>> -> memref<1x512xi32, #tpu.memory_space<vmem>>
    %dma_wait3A_31 = tpu.memref_squeeze %dma_wait3A_30 : memref<1x512xi32, #tpu.memory_space<vmem>> -> memref<512xi32, #tpu.memory_space<vmem>>
    %dma_wait3A_32 = arith.constant 0 : i32
    %dma_wait3A_33 = arith.constant 0 : i32
    %dma_wait3A_34 = tpu.memref_slice %arg2[%dma_wait3A_32, %dma_wait3A_33] : memref<100000x64xf32, #tpu.memory_space<hbm>> -> memref<100000x64xf32, #tpu.memory_space<hbm>>
    tpu.wait_indirect_dma semaphore(%arg11 : memref<!tpu.dma_semaphore, #tpu.memory_space<semaphore_mem>>) src(%dma_wait3A_34 : memref<100000x64xf32, #tpu.memory_space<hbm>>) dst(%arg7 : memref<512x64xf32, #tpu.memory_space<vmem>>)
    %multiple_of3A = arith.constant 1152 : i32
    %multiple_of3A_35 = tpu.assume_multiple %multiple_of3A, 64 : i32
    %dma_start3A_36 = tpu.memref_slice %arg5[%mul3A_2, %multiple_of3A_35] : memref<16384x1320xf32, #tpu.memory_space<hbm>> -> memref<512x64xf32, #tpu.memory_space<hbm>>
    %dma_start3A_37 = tpu.memref_slice %arg5[%mul3A_2, %multiple_of3A_35] : memref<16384x1320xf32, #tpu.memory_space<hbm>> -> memref<512x64xf32, #tpu.memory_space<hbm>>
    tpu.enqueue_dma source(%arg7 : memref<512x64xf32, #tpu.memory_space<vmem>>) target(%dma_start3A_37 : memref<512x64xf32, #tpu.memory_space<hbm>>) target_semaphore(%arg14 : memref<!tpu.dma_semaphore, #tpu.memory_space<semaphore_mem>>)
    %dma_wait3A_38 = arith.constant 19 : i32
    %dma_wait3A_39 = arith.constant 0 : i32
    %dma_wait3A_40 = tpu.memref_slice %arg6[%dma_wait3A_38, %dma_wait3A_39] : memref<20x512xi32, #tpu.memory_space<vmem>> -> memref<1x512xi32, #tpu.memory_space<vmem>>
    %dma_wait3A_41 = tpu.memref_squeeze %dma_wait3A_40 : memref<1x512xi32, #tpu.memory_space<vmem>> -> memref<512xi32, #tpu.memory_space<vmem>>
    %dma_wait3A_42 = arith.constant 0 : i32
    %dma_wait3A_43 = arith.constant 0 : i32
    %dma_wait3A_44 = tpu.memref_slice %arg2[%dma_wait3A_42, %dma_wait3A_43] : memref<100000x64xf32, #tpu.memory_space<hbm>> -> memref<100000x64xf32, #tpu.memory_space<hbm>>
    tpu.wait_indirect_dma semaphore(%arg12 : memref<!tpu.dma_semaphore, #tpu.memory_space<semaphore_mem>>) src(%dma_wait3A_44 : memref<100000x64xf32, #tpu.memory_space<hbm>>) dst(%arg8 : memref<512x64xf32, #tpu.memory_space<vmem>>)
    %multiple_of3A_45 = arith.constant 1216 : i32
    %multiple_of3A_46 = tpu.assume_multiple %multiple_of3A_45, 64 : i32
    %dma_start3A_47 = tpu.memref_slice %arg5[%mul3A_2, %multiple_of3A_46] : memref<16384x1320xf32, #tpu.memory_space<hbm>> -> memref<512x64xf32, #tpu.memory_space<hbm>>
    %dma_start3A_48 = tpu.memref_slice %arg5[%mul3A_2, %multiple_of3A_46] : memref<16384x1320xf32, #tpu.memory_space<hbm>> -> memref<512x64xf32, #tpu.memory_space<hbm>>
    tpu.enqueue_dma source(%arg8 : memref<512x64xf32, #tpu.memory_space<vmem>>) target(%dma_start3A_48 : memref<512x64xf32, #tpu.memory_space<hbm>>) target_semaphore(%arg15 : memref<!tpu.dma_semaphore, #tpu.memory_space<semaphore_mem>>)
    %multiple_of3A_49 = arith.constant 1088 : i32
    %multiple_of3A_50 = tpu.assume_multiple %multiple_of3A_49, 64 : i32
    %dma_wait3A_51 = tpu.memref_slice %arg5[%mul3A_2, %multiple_of3A_50] : memref<16384x1320xf32, #tpu.memory_space<hbm>> -> memref<512x64xf32, #tpu.memory_space<hbm>>
    %dma_wait3A_52 = tpu.memref_slice %arg5[%mul3A_2, %multiple_of3A_50] : memref<16384x1320xf32, #tpu.memory_space<hbm>> -> memref<512x64xf32, #tpu.memory_space<hbm>>
    tpu.wait_dma2 semaphore(%arg16 : memref<!tpu.dma_semaphore, #tpu.memory_space<semaphore_mem>>) src(%arg9 : memref<512x64xf32, #tpu.memory_space<vmem>>) dst(%dma_wait3A_52 : memref<512x64xf32, #tpu.memory_space<hbm>>)
    %multiple_of3A_53 = arith.constant 1152 : i32
    %multiple_of3A_54 = tpu.assume_multiple %multiple_of3A_53, 64 : i32
    %dma_wait3A_55 = tpu.memref_slice %arg5[%mul3A_2, %multiple_of3A_54] : memref<16384x1320xf32, #tpu.memory_space<hbm>> -> memref<512x64xf32, #tpu.memory_space<hbm>>
    %dma_wait3A_56 = tpu.memref_slice %arg5[%mul3A_2, %multiple_of3A_54] : memref<16384x1320xf32, #tpu.memory_space<hbm>> -> memref<512x64xf32, #tpu.memory_space<hbm>>
    tpu.wait_dma2 semaphore(%arg14 : memref<!tpu.dma_semaphore, #tpu.memory_space<semaphore_mem>>) src(%arg7 : memref<512x64xf32, #tpu.memory_space<vmem>>) dst(%dma_wait3A_56 : memref<512x64xf32, #tpu.memory_space<hbm>>)
    %multiple_of3A_57 = arith.constant 1216 : i32
    %multiple_of3A_58 = tpu.assume_multiple %multiple_of3A_57, 64 : i32
    %dma_wait3A_59 = tpu.memref_slice %arg5[%mul3A_2, %multiple_of3A_58] : memref<16384x1320xf32, #tpu.memory_space<hbm>> -> memref<512x64xf32, #tpu.memory_space<hbm>>
    %dma_wait3A_60 = tpu.memref_slice %arg5[%mul3A_2, %multiple_of3A_58] : memref<16384x1320xf32, #tpu.memory_space<hbm>> -> memref<512x64xf32, #tpu.memory_space<hbm>>
    tpu.wait_dma2 semaphore(%arg15 : memref<!tpu.dma_semaphore, #tpu.memory_space<semaphore_mem>>) src(%arg8 : memref<512x64xf32, #tpu.memory_space<vmem>>) dst(%dma_wait3A_60 : memref<512x64xf32, #tpu.memory_space<hbm>>)
    return
  }
}

</mosaic_0001>

<sc_bundles>
// kernel: _run.3.cloned.1.call-start
scs
__scs_entry_jumppad:
0x0: {  	(pc) =	sbr.rel $0x88, $3  }
0x1: {  	(tag) =	ssettag $0x0;
	lr =	simm.s32 $0x1  }
0x2: {  	[smem:$0x3F9E] =	sst lr;
	_ =	strace $0xD0000000  }
0x3: {  	_ = 	snop  }
0x4: {  	_ = 	snop  }
0x5: {  	_ = 	snop  }
0x6: {  	_ = 	snop  }
0x7: {  	_ = 	snop  }
__scs_overlays_trampoline_lowered:
0x8: {  	[smem:$0x3FAD] =	sst s0  }
0x9: {  	[smem:$0x3FAE] =	sst s1  }
0xa: {  	[smem:$0x3FAF] =	sst s2  }
0xb: {  	[smem:$0x3FB0] =	sst s3  }
0xc: {  	[smem:$0x3FB1] =	sst s4  }
0xd: {  	[smem:$0x3FB2] =	sst s5  }
0xe: {  	[smem:$0x3FB3] =	sst s6  }
0xf: {  	[smem:$0x3FB4] =	sst s7  }
0x10: {  	[smem:$0x3FB5] =	sst s8  }
0x11: {  	[smem:$0x3FB6] =	sst s9;
	s0 =	simm.s32 @!p0 $0x0  }
0x12: {  	s1 =	sld [smem:$0x3F9C];
	s0 =	simm.s32 @p0 $0x1  }
0x13: {  	[smem:$0x3FB7] =	sst s0;
	s0 =	simm.s32 @!p1 $0x0  }
0x14: {  	s2 =	sld [smem:$0x3F9B];
	s0 =	simm.s32 @p1 $0x1  }
0x15: {  	[smem:$0x3FB8] =	sst s0;
	s0 =	simm.s32 @!p2 $0x0  }
0x16: {  	s3 =	sld [smem:$0x3FDB];
	s0 =	simm.s32 @p2 $0x1  }
0x17: {  	s4 =	simm.s32 $0x1BF5;
	[smem:$0x3FBA] =	sst s0  }
0x18: {  	s0 =	sld [smem:$0x3F9D];
	_ =	swait.ge [sflag:s4], $0x0  }
0x19: {  	s7 =	sld [smem:$0x3F9E]  }
0x1a: {  	s8 =	sadd.s32 $0xFFFFE003, lr  }
0x1b: {  	s9 =	sadd.s32 $0xFFFFFEF7, lr;
	s5 =	simm.s32 $0xFFFFFFFF;
	p2 =	slt.u32 s8, $0xFFFFF086  }
0x1c: {  	p1 =	slt.u32 s9, $0xF7A;
	s5 =	simm.s32 @!p2 $0x0  }
0x1d: {  	s5 =	simm.s32 @p1 $0x1;
	p0 =	seq.s32 s7, s2  }
0x1e: {  	s7 =	smul.u32 @!p0 $0xF7A, s2;
	p2 =	seq.s32 @!p0 s5, $0x0  }
0x1f: {  	s9 =	smul.u32 $0xF7A, s1;
	s8 =	simm.s32 @!p0 $0x1BF5;
	p2 =	por !p2, p0  }
0x20: {  	[sflag:s8] =	ssyncset.s32 @!p0 $0xFFFFF086;
	s6 =	sadd.s32 @!p0 s3, s7;
	s7 =	simm.s32 @!p0 $0x108  }
0x21: {  	s3 =	sadd.s32 s3, s9;
	s6 =	sadd.s32 @!p0 $0x88, s6;
	s7 =	simm.s32 @p2 $0x1082  }
0x22: {  	[simem:s7], [sflag:s8] =	dma.local @!p0 [hbm:s6], $0xF7A  }
0x23: {  	s9 =	sor.u32 $0xD0000000, s2;
	s6 =	simm.s32 $0x108;
	_ =	swait.ge @!p0 [sflag:s8], $0x0  }
0x24: {  	s3 =	sadd.s32 $0x88, s3;
	s6 =	simm.s32 @!p1 $0x1082;
	[sflag:s4] =	ssyncset.s32 $0xFFFFF086  }
0x25: {  	[simem:s6], [sflag:s4] =	dma.local [hbm:s3], $0xF7A  }
0x26: {  	[smem:$0x3F9E] =	sst s1;
	(tag) =	ssettag s2;
	_ =	strace s9  }
0x27: {  	s1 =	sld [smem:$0x3FAE]  }
0x28: {  	s2 =	sld [smem:$0x3FAF]  }
0x29: {  	s4 =	sld [smem:$0x3FB1]  }
0x2a: {  	p0 =	seq.s32 s5, $0x0;
	s5 =	sld [smem:$0x3FB2]  }
0x2b: {  	s6 =	sld [smem:$0x3FB3]  }
0x2c: {  	s7 =	sld [smem:$0x3FB4]  }
0x2d: {  	s3 =	simm.s32 $0x108;
	s8 =	sld [smem:$0x3FB5]  }
0x2e: {  	s3 =	simm.s32 @!p0 $0x1082;
	s9 =	sld [smem:$0x3FB6]  }
0x2f: {  	lr =	sadd.s32 s0, s3;
	s0 =	sld [smem:$0x3FAD]  }
0x30: {  	s3 =	sld [smem:$0x3FB0]  }
0x31: {  	[smem:$0x3FB9] =	sst s10  }
0x32: {  	s10 =	sld [smem:$0x3FB7];
	_ =	sdelay $0x3  }
0x33: {  	p0 =	seq.s32 s10, $0x1;
	s10 =	sld [smem:$0x3FB9];
	_ =	sdelay $0x3  }
0x34: {  	[smem:$0x3FB9] =	sst s10  }
0x35: {  	s10 =	sld [smem:$0x3FB8];
	_ =	sdelay $0x3  }
0x36: {  	p1 =	seq.s32 s10, $0x1;
	s10 =	sld [smem:$0x3FB9];
	_ =	sdelay $0x3  }
0x37: {  	[smem:$0x3FB9] =	sst s10  }
0x38: {  	s10 =	sld [smem:$0x3FBA]  }
0x39: {  	_ = 	snop;
	(pc) =	sbr.ind lr, $3  }
0x3a: {  	_ = 	snop  }
0x3b: {  	_ = 	snop  }
0x3c: {  	p2 =	seq.s32 s10, $0x1;
	s10 =	sld [smem:$0x3FB9]  }
0x3d: {  	_ =	shalt  }
0x3e: {  	_ =	shalt  }
0x3f: {  	_ =	shalt  }
0x40: {  	_ =	shalt  }
0x41: {  	_ =	shalt  }
0x42: {  	_ =	shalt  }
0x43: {  	_ =	shalt  }
0x44: {  	_ =	shalt  }
0x45: {  	_ =	shalt  }
0x46: {  	_ =	shalt  }
0x47: {  	_ =	shalt  }
0x48: {  	_ =	shalt  }
0x49: {  	_ =	shalt  }
0x4a: {  	_ =	shalt  }
0x4b: {  	_ =	shalt  }
0x4c: {  	_ =	shalt  }
0x4d: {  	_ =	shalt  }
0x4e: {  	_ =	shalt  }
0x4f: {  	_ =	shalt  }
0x50: {  	_ =	shalt  }
0x51: {  	_ =	shalt  }
0x52: {  	_ =	shalt  }
0x53: {  	_ =	shalt  }
0x54: {  	_ =	shalt  }
0x55: {  	_ =	shalt  }
0x56: {  	_ =	shalt  }
0x57: {  	_ =	shalt  }
0x58: {  	_ =	shalt  }
0x59: {  	_ =	shalt  }
0x5a: {  	_ =	shalt  }
0x5b: {  	_ =	shalt  }
0x5c: {  	_ =	shalt  }
0x5d: {  	_ =	shalt  }
0x5e: {  	_ =	shalt  }
0x5f: {  	_ =	shalt  }
0x60: {  	_ =	shalt  }
0x61: {  	_ =	shalt  }
0x62: {  	_ =	shalt  }
0x63: {  	_ =	shalt  }
0x64: {  	_ =	shalt  }
0x65: {  	_ =	shalt  }
0x66: {  	_ =	shalt  }
0x67: {  	_ =	shalt  }
0x68: {  	_ =	shalt  }
0x69: {  	_ =	shalt  }
0x6a: {  	_ =	shalt  }
0x6b: {  	_ =	shalt  }
0x6c: {  	_ =	shalt  }
0x6d: {  	_ =	shalt  }
0x6e: {  	_ =	shalt  }
0x6f: {  	_ =	shalt  }
0x70: {  	_ =	shalt  }
0x71: {  	_ =	shalt  }
0x72: {  	_ =	shalt  }
0x73: {  	_ =	shalt  }
0x74: {  	_ =	shalt  }
0x75: {  	_ =	shalt  }
0x76: {  	_ =	shalt  }
0x77: {  	_ =	shalt  }
0x78: {  	_ =	shalt  }
0x79: {  	_ =	shalt  }
0x7a: {  	_ =	shalt  }
0x7b: {  	_ =	shalt  }
0x7c: {  	_ =	shalt  }
0x7d: {  	_ =	shalt  }
0x7e: {  	_ =	shalt  }
0x7f: {  	_ =	shalt  }
0x80: {  	_ =	shalt  }
0x81: {  	_ =	shalt  }
0x82: {  	_ =	shalt  }
0x83: {  	_ =	shalt  }
0x84: {  	_ =	shalt  }
0x85: {  	_ =	shalt  }
0x86: {  	_ =	shalt  }
0x87: {  	_ =	shalt  }
.Lfunc_end0:
.L_simem_size_0:
called_computation.1_lowered:
.L_overlay_start_0:
0x88: {  	s2 =	sld [smem:$0x3FD9]  }
0x89: {  	s3 =	sld [smem:$0x3FFE];
	_ =	sdelay $0x1  }
0x8a: {  	s1 =	srdreg.scid  }
0x8b: {  	s0 =	sand.u32 $0x1, s1  }
0x8c: {  	s17 =	sshll.u32 s0, $0xA;
	s2 =	sadd.s32 s3, s2  }
0x8d: {  	s2 =	sadd.s32 s2, s17  }
0x8e: {  	[smem:$0x3FC5] =	sst s2  }
0x8f: {  	_ = 	snop  }
0x90: {  	s2 =	sld [smem:$0x3FD0];
	(tm) =	ssettm $0x1  }
0x91: {  	s18 =	sld [smem:$0x3FFB];
	_ =	sdelay $0x3  }
0x92: {  	_ =	strace s18  }
0x93: {  	s3 =	sld [smem:$0x3FFC];
	_ =	sdelay $0x3  }
0x94: {  	_ =	strace s3  }
0x95: {  	s3 =	sld [smem:$0x3FFD];
	_ =	sdelay $0x3  }
0x96: {  	_ =	strace s3  }
0x97: {  	_ =	strace $0x8FFFFFFF  }
0x98: {  	s19 =	sld [smem:$0x3FDB];
	_ =	sdelay $0x1  }
0x99: {  	s4 =	simm.s32 $_scs_section_size  }
0x9a: {  	s5 =	simm.s32 $_size__tile_overlayer_lowered;
	s6 =	simm.s32 $_tile_overlayer_lowered  }
0x9b: {  	s22 =	simm.s32 $0x1BFF;
	s21 =	sshll.u32 s6, $0x1;
	s3 =	sadd.s32 s4, s19  }
0x9c: {  	s7 =	simm.s32 $0x0;
	s20 =	sshll.u32 s5, $0x1;
	s5 =	sadd.s32 s21, s3  }
0x9d: {  	[timem:s7], [sflag:s22] =	dma.local [hbm:s5], s20  }
0x9e: {  	_ =	swait.ge [sflag:s22], s20  }
0x9f: {  	s4 =	ssub.s32 $0x0, s20;
	[sflag:s22] =	ssyncset.done $0x0  }
0xa0: {  	[sflag:s22] =	ssyncadd.s32 s4;
	_ =	sdelay $0x1  }
0xa1: {  	s23 =	simm.s32 $0x1B8B  }
0xa2: {  	_ =	swait.ge [sflag:s23], $0x1  }
0xa3: {  	[sflag:s23] =	ssyncset.done $0x0  }
0xa4: {  	s25 =	simm.s32 $0x1B8E;
	s24 =	sld [smem:$0x3FFE];
	[sflag:s23] =	ssyncadd.s32 $0xFFFFFFFF  }
0xa5: {  	s26 =	simm.s32 $execute0_lowered;
	[smem:$0x3FD2] =	sst s25  }
0xa6: {  	s5 =	sshll.u32 s26, $0x1;
	_ =	strace $0x80000046;
	[dreg:$0x1] =	wrdreg $0xFFFFFFFF  }
0xa7: {  	s28 =	simm.s32 $_size_execute0_lowered;
	s3 =	sadd.s32 s3, s5;
	[dreg:$0x0] =	wrdreg $0x0  }
0xa8: {  	s5 =	sshll.u32 s28, $0x1;
	[dreg:$0x2] =	wrdreg s3  }
0xa9: {  	[dreg:$0x3] =	wrdreg s5  }
0xaa: {  	[dreg:$0x4] =	wrdreg $0xC0  }
0xab: {  	_ =	task [dreg:s7], $0x5FFFF  }
0xac: {  	[dreg:$0x1] =	wrdreg $0xFFFFFFFF  }
0xad: {  	[dreg:$0x0] =	wrdreg $0x60  }
0xae: {  	[dreg:$0x2] =	wrdreg s24  }
0xaf: {  	[dreg:$0x3] =	wrdreg s2  }
0xb0: {  	[dreg:$0x4] =	wrdreg $0x9  }
0xb1: {  	_ =	task.clear_ibuf [dreg:s7], $0x5FFFF;
	_ =	strace $0x90000046  }
0xb2: {  	s29 =	simm.s32 $0x9;
	_ =	strace $0x80000048  }
0xb3: {  	_ =	swait.ge [sflag:s29], $0x1  }
0xb4: {  	[sflag:s29] =	ssyncadd.s32 $0xFFFFFFFF  }
0xb5: {  	_ =	strace $0x90000048  }
0xb6: {  	_ =	sfence  }
0xb7: {  	s30 =	sld [smem:$0x0];
	_ =	sdelay $0x2  }
0xb8: {  	s31 =	sshll.u32 s1, $0xD;
	s1 =	sshrl.u32 s1, $0x2  }
0xb9: {  	s3 =	sand.u32 $0x4000, s31;
	s1 =	sadd.s32 s1, s30  }
0xba: {  	s0 =	sor.u32 s3, s0;
	s1 =	sshll.u32 s1, $0x11  }
0xbb: {  	s0 =	sor.u32 s1, s0  }
0xbc: {  	s0 =	sadd.s32 $0x8F2B, s0  }
0xbd: {  	[sflag:s0] =	ssyncadd.remote.s32 $0x1  }
0xbe: {  	_ =	sfence.sel $0xFFFF  }
0xbf: {  	[dreg:$0x0] =	wrdreg $0xFFFFFFFF;
	(pc) =	sbr.abs _section_cstart, $3  }
0xc0: {  	[dreg:$0x1] =	wrdreg $0xFFFFFFFF  }
0xc1: {  	_ =	task.clear_ibuf [dreg:s7], $0x2FFFF;
	_ =	strace $0x9FFFFFFF  }
0xc2: {  	(tm) =	ssettm $0x7FFFFFFF  }
0xc3: {  	_ =	shalt  }
tec
execute0_lowered:
.L_overlay_start_1:
0x0: {  	(tag) =	ssettag $0x1  }
0x1: {  	s0 =	rddreg [dreg:$0x0]  }
0x2: {  	s1 =	rddreg [dreg:$0x1]  }
0x3: {  	s2 =	srdreg.scid;
	s13 =	stileid.u32  }
0x4: {  	s28 =	simm.s32 $0x40;
	s30 =	simm.s32 $0x12800;
	s31 =	simm.s32 $0x2  }
0x5: {  	s29 =	simm.s32 $0x5;
	s4 =	sand.u32 $0x1, s2;
	s2 =	simm.s32 $0x0  }
0x6: {  	s3 =	sshll.u32 s13, $0xA;
	s12 =	sadd.s32 $0xA0, s1;
	s22 =	smul.u32 $0x14A000, s13  }
0x7: {  	s5 =	sshll.u32 s4, $0x9;
	[smem:$0x7FF] =	sst s2;
	s7 =	ssub.s32 $0x2, s4  }
0x8: {  	s4 =	smul.u32 $0xA5000, s4;
	s5 =	sor.u32 s5, s3;
	_ =	strace $0x80000047  }
0x9: {  	s3 =	sadd.s32 $0x1E800, s0;
	s9 =	sshrl.u32 s7, $0x1;
	s8 =	smul.u32 $0x5, s5  }
0xa: {  	s6 =	sshrl.u32 s5, $0x3;
	s10 =	smul.u32 $0x528, s5;
	s5 =	sor.u32 $0x100, s5  }
0xb: {  	s7 =	ssub.s32 s7, s9;
	s6 =	sadd.s32 s6, s0;
	s18 =	smul.u32 $0x5, s5  }
0xc: {  	s0 =	sadd.s32 $0xA800, s0;
	s5 =	smul.u32 $0xA5, s5;
	s6 =	sadd.s32 $0x800, s6  }
0xd: {  	s11 =	sshrl.u32 s10, $0x3;
	s19 =	sadd.s32 s0, s8;
	[dreg:$0x3] =	wrdreg s6  }
0xe: {  	s23 =	sor.u32 $0x40, s10;
	[dreg:$0x4] =	wrdreg s19;
	s20 =	sadd.s32 s11, s12  }
0xf: {  	s0 =	sadd.s32 s0, s18;
	s21 =	sadd.s32 s5, s12;
	s9 =	sadd.s32 s1, s11  }
0x10: {  	s5 =	sshrl.u32 s23, $0x3;
	s12 =	smax.u32 s7, $0x1;
	[dreg:$0x5] =	wrdreg s20  }
0x11: {  	s18 =	simm.s32 $0x200;
	s23 =	simm.s32 $0x1A800;
	[dreg:$0x6] =	wrdreg s0  }
0x12: {  	s19 =	simm.s32 $0x3;
	[dreg:$0x7] =	wrdreg s21;
	s24 =	sadd.s32 $0x90, s9  }
0x13: {  	s25 =	sadd.s32 $0x98, s9;
	s13 =	sadd.s32 s1, s5;
	s0 =	sadd.s32 s4, s22  }
0x14: {  	s14 =	sadd.s32 $0x10, s9;
	s20 =	simm.s32 $0x7;
	[dreg:$0x8] =	wrdreg s24  }
0x15: {  	s21 =	simm.s32 $0x2800;
	s22 =	simm.s32 $0xA800;
	[dreg:$0x9] =	wrdreg s25  }
0x16: {  	s4 =	sor.u32 $0x100, s0;
	s26 =	sor.u32 $0xC0, s0;
	s0 =	sor.u32 $0x140, s0  }
0x17: {  	s24 =	simm.s32 $0x28;
	s25 =	simm.s32 $0x528;
	s4 =	sshrl.u32 s4, $0x3  }
0x18: {  	s5 =	sshrl.u32 s26, $0x3;
	s0 =	sshrl.u32 s0, $0x3;
	s26 =	simm.s32 $0x1  }
0x19: {  	s15 =	sadd.s32 s4, s1;
	s16 =	sadd.s32 s5, s1;
	s17 =	sadd.s32 s0, s1  }
0x1a: {  	s0 =	simm.s32 $0x4;
	s1 =	simm.s32 $0x6;
	s4 =	simm.s32 $0x0  }
.LBB2_1:
0x1b: {  	s5 =	rddreg [dreg:$0x3];
	s6 =	simm.s32 $0x4000  }
0x1c: {  	[tilespmem:s2], [sflag:$0x7] =	stream.strided.gather [hbm4b:s5+s18], $0x2800, s6, s18, $0x38;
	[tilespmem:$0x1D000] =	vst v63  }
0x1d: {  	_ =	swait.ge [sflag:s20], $0x2800  }
0x1e: {  	[sflag:s20] =	ssyncset.done $0x0  }
0x1f: {  	[sflag:s20] =	ssyncadd.s32 $0xFFFFD800  }
0x20: {  	[tilespmem:s21], [sflag:$0x1] =	stream.indirect.gather [hbm4b:s3+s18], $0x40, s2, s18, $0xb8;
	[tilespmem:$0x1D000] =	vst v63  }
0x21: {  	_ = 	snop  }
0x22: {  	[tilespmem:s22], [sflag:$0x2] =	stream.indirect.gather [hbm4b:s3+s18], $0x40, s18, s18, $0xb8;
	[tilespmem:$0x1D000] =	vst v63  }
0x23: {  	s7 =	rddreg [dreg:$0x4]  }
0x24: {  	[tilespmem:s23], [sflag:$0x7] =	stream.linear.gather [hbm4b:s7+s2], $0x2800, $0x38;
	[tilespmem:$0x1D000] =	vst v63  }
0x25: {  	_ =	swait.ge [sflag:s20], $0x2800  }
0x26: {  	[sflag:s20] =	ssyncset.done $0x0  }
0x27: {  	s8 =	rddreg [dreg:$0x5];
	[sflag:s20] =	ssyncadd.s32 $0xFFFFD800  }
0x28: {  	[hbm4b:s8+s24] =	stream.strided.scatter [tilespmem:s23], [sflag:$0x7], $0x2800, s25, s24, $0x38;
	[tilespmem:$0x1D000] =	vst v63  }
0x29: {  	_ =	swait.ge [sflag:s20], $0x2800  }
0x2a: {  	[sflag:s20] =	ssyncset.done $0x0  }
0x2b: {  	s10 =	rddreg [dreg:$0x6];
	[sflag:s20] =	ssyncadd.s32 $0xFFFFD800  }
0x2c: {  	[tilespmem:s23], [sflag:$0x7] =	stream.linear.gather [hbm4b:s10+s2], $0x2800, $0x38;
	[tilespmem:$0x1D000] =	vst v63  }
0x2d: {  	_ =	swait.ge [sflag:s20], $0x2800  }
0x2e: {  	[sflag:s20] =	ssyncset.done $0x0  }
0x2f: {  	s11 =	rddreg [dreg:$0x7];
	[sflag:s20] =	ssyncadd.s32 $0xFFFFD800  }
0x30: {  	[hbm4b:s11+s24] =	stream.strided.scatter [tilespmem:s23], [sflag:$0x7], $0x2800, s25, s24, $0x38;
	[tilespmem:$0x1D000] =	vst v63  }
0x31: {  	_ =	swait.ge [sflag:s20], $0x2800  }
0x32: {  	[sflag:s20] =	ssyncset.done $0x0  }
0x33: {  	[sflag:s20] =	ssyncadd.s32 $0xFFFFD800  }
0x34: {  	_ =	swait.ge [sflag:s26], $0x8000  }
0x35: {  	[sflag:s26] =	ssyncset.done $0x0  }
0x36: {  	[sflag:s26] =	ssyncadd.s32 $0xFFFF8000  }
0x37: {  	[hbm4b:s9+s28] =	stream.strided.scatter [tilespmem:s21], [sflag:$0x4], $0x8000, s25, s28, $0x38;
	[tilespmem:$0x1D000] =	vst v63  }
0x38: {  	s6 =	simm.s32 $0x400  }
0x39: {  	[tilespmem:s30], [sflag:$0x3] =	stream.indirect.gather [hbm4b:s3+s18], $0x40, s6, s18, $0xb8;
	[tilespmem:$0x1D000] =	vst v63  }
0x3a: {  	_ =	swait.ge [sflag:s31], $0x8000  }
0x3b: {  	[sflag:s31] =	ssyncset.done $0x0  }
0x3c: {  	[sflag:s31] =	ssyncadd.s32 $0xFFFF8000  }
0x3d: {  	[hbm4b:s13+s28] =	stream.strided.scatter [tilespmem:s22], [sflag:$0x5], $0x8000, s25, s28, $0x38;
	[tilespmem:$0x1D000] =	vst v63  }
0x3e: {  	_ =	swait.ge [sflag:s0], $0x8000  }
0x3f: {  	[sflag:s0] =	ssyncset.done $0x0  }
0x40: {  	s7 =	simm.s32 $0x600;
	[sflag:s0] =	ssyncadd.s32 $0xFFFF8000  }
0x41: {  	[tilespmem:s21], [sflag:$0x1] =	stream.indirect.gather [hbm4b:s3+s18], $0x40, s7, s18, $0xb8;
	[tilespmem:$0x1D000] =	vst v63  }
0x42: {  	_ =	swait.ge [sflag:s19], $0x8000  }
0x43: {  	[sflag:s19] =	ssyncset.done $0x0  }
0x44: {  	[sflag:s19] =	ssyncadd.s32 $0xFFFF8000  }
0x45: {  	[hbm4b:s14+s28] =	stream.strided.scatter [tilespmem:s30], [sflag:$0x6], $0x8000, s25, s28, $0x38;
	[tilespmem:$0x1D000] =	vst v63  }
0x46: {  	_ =	swait.ge [sflag:s29], $0x8000  }
0x47: {  	[sflag:s29] =	ssyncset.done $0x0  }
0x48: {  	s8 =	simm.s32 $0x800;
	[sflag:s29] =	ssyncadd.s32 $0xFFFF8000  }
0x49: {  	[tilespmem:s22], [sflag:$0x2] =	stream.indirect.gather [hbm4b:s3+s18], $0x40, s8, s18, $0xb8;
	[tilespmem:$0x1D000] =	vst v63  }
0x4a: {  	_ =	swait.ge [sflag:s26], $0x8000  }
0x4b: {  	[sflag:s26] =	ssyncset.done $0x0  }
0x4c: {  	[sflag:s26] =	ssyncadd.s32 $0xFFFF8000  }
0x4d: {  	[hbm4b:s16+s28] =	stream.strided.scatter [tilespmem:s21], [sflag:$0x4], $0x8000, s25, s28, $0x38;
	[tilespmem:$0x1D000] =	vst v63  }
0x4e: {  	_ =	swait.ge [sflag:s1], $0x8000  }
0x4f: {  	[sflag:s1] =	ssyncset.done $0x0  }
0x50: {  	s10 =	simm.s32 $0xA00;
	[sflag:s1] =	ssyncadd.s32 $0xFFFF8000  }
0x51: {  	[tilespmem:s30], [sflag:$0x3] =	stream.indirect.gather [hbm4b:s3+s18], $0x40, s10, s18, $0xb8;
	[tilespmem:$0x1D000] =	vst v63  }
0x52: {  	_ =	swait.ge [sflag:s31], $0x8000  }
0x53: {  	[sflag:s31] =	ssyncset.done $0x0  }
0x54: {  	[sflag:s31] =	ssyncadd.s32 $0xFFFF8000  }
0x55: {  	[hbm4b:s15+s28] =	stream.strided.scatter [tilespmem:s22], [sflag:$0x5], $0x8000, s25, s28, $0x38;
	[tilespmem:$0x1D000] =	vst v63  }
0x56: {  	_ =	swait.ge [sflag:s0], $0x8000  }
0x57: {  	[sflag:s0] =	ssyncset.done $0x0  }
0x58: {  	s11 =	simm.s32 $0xC00;
	[sflag:s0] =	ssyncadd.s32 $0xFFFF8000  }
0x59: {  	[tilespmem:s21], [sflag:$0x1] =	stream.indirect.gather [hbm4b:s3+s18], $0x40, s11, s18, $0xb8;
	[tilespmem:$0x1D000] =	vst v63  }
0x5a: {  	_ =	swait.ge [sflag:s19], $0x8000  }
0x5b: {  	[sflag:s19] =	ssyncset.done $0x0  }
0x5c: {  	[sflag:s19] =	ssyncadd.s32 $0xFFFF8000  }
0x5d: {  	[hbm4b:s17+s28] =	stream.strided.scatter [tilespmem:s30], [sflag:$0x6], $0x8000, s25, s28, $0x38;
	[tilespmem:$0x1D000] =	vst v63  }
0x5e: {  	s5 =	simm.s32 $0x1800;
	_ =	swait.ge [sflag:s29], $0x8000  }
0x5f: {  	s6 =	sadd.s32 $0x18, s16;
	s7 =	sadd.s32 $0x18, s17;
	[sflag:s29] =	ssyncset.done $0x0  }
0x60: {  	s8 =	sadd.s32 $0x18, s15;
	s10 =	simm.s32 $0xE00;
	[sflag:s29] =	ssyncadd.s32 $0xFFFF8000  }
.LBB2_2:
0x61: {  	[tilespmem:s22], [sflag:$0x2] =	stream.indirect.gather [hbm4b:s3+s18], $0x40, s10, s18, $0xb8;
	[tilespmem:$0x1D000] =	vst v63  }
0x62: {  	s10 =	smov.u32 s5  }
0x63: {  	p0 =	sne.s32 s5, $0x6000;
	s5 =	sadd.s32 $0x1800, s5;
	_ =	swait.ge [sflag:s26], $0x8000  }
0x64: {  	[sflag:s26] =	ssyncset.done $0x0  }
0x65: {  	[sflag:s26] =	ssyncadd.s32 $0xFFFF8000  }
0x66: {  	[hbm4b:s6+s28] =	stream.strided.scatter [tilespmem:s21], [sflag:$0x4], $0x8000, s25, s28, $0x38;
	[tilespmem:$0x1D000] =	vst v63  }
0x67: {  	_ =	swait.ge [sflag:s1], $0x8000  }
0x68: {  	s10 =	sshra.s32 s10, $0x2;
	[sflag:s1] =	ssyncset.done $0x0  }
0x69: {  	s11 =	sadd.s32 $0xA00, s10;
	[sflag:s1] =	ssyncadd.s32 $0xFFFF8000  }
0x6a: {  	[tilespmem:s30], [sflag:$0x3] =	stream.indirect.gather [hbm4b:s3+s18], $0x40, s11, s18, $0xb8;
	[tilespmem:$0x1D000] =	vst v63  }
0x6b: {  	_ =	swait.ge [sflag:s31], $0x8000  }
0x6c: {  	[sflag:s31] =	ssyncset.done $0x0  }
0x6d: {  	[sflag:s31] =	ssyncadd.s32 $0xFFFF8000  }
0x6e: {  	[hbm4b:s8+s28] =	stream.strided.scatter [tilespmem:s22], [sflag:$0x5], $0x8000, s25, s28, $0x38;
	[tilespmem:$0x1D000] =	vst v63  }
0x6f: {  	_ =	swait.ge [sflag:s0], $0x8000  }
0x70: {  	[sflag:s0] =	ssyncset.done $0x0  }
0x71: {  	s11 =	sadd.s32 $0xC00, s10;
	[sflag:s0] =	ssyncadd.s32 $0xFFFF8000  }
0x72: {  	[tilespmem:s21], [sflag:$0x1] =	stream.indirect.gather [hbm4b:s3+s18], $0x40, s11, s18, $0xb8;
	[tilespmem:$0x1D000] =	vst v63  }
0x73: {  	_ =	swait.ge [sflag:s19], $0x8000  }
0x74: {  	[sflag:s19] =	ssyncset.done $0x0  }
.Ltmp0:
0x75: {  	[sflag:s19] =	ssyncadd.s32 $0xFFFF8000;
	(pc) =	sbr.rel @p0 .LBB2_2-.Ltmp0, $4  }
0x76: {  	[hbm4b:s7+s28] =	stream.strided.scatter [tilespmem:s30], [sflag:$0x6], $0x8000, s25, s28, $0x38;
	[tilespmem:$0x1D000] =	vst v63  }
0x77: {  	_ =	swait.ge [sflag:s29], $0x8000  }
0x78: {  	s6 =	sadd.s32 $0x18, s6;
	s7 =	sadd.s32 $0x18, s7;
	[sflag:s29] =	ssyncset.done $0x0  }
0x79: {  	s10 =	sadd.s32 $0xE00, s10;
	s8 =	sadd.s32 $0x18, s8;
	[sflag:s29] =	ssyncadd.s32 $0xFFFF8000  }
0x7a: {  	[tilespmem:s22], [sflag:$0x2] =	stream.indirect.gather [hbm4b:s3+s18], $0x40, s10, s18, $0xb8;
	[tilespmem:$0x1D000] =	vst v63  }
0x7b: {  	_ =	swait.ge [sflag:s26], $0x8000  }
0x7c: {  	[sflag:s26] =	ssyncset.done $0x0  }
0x7d: {  	s5 =	rddreg [dreg:$0x8];
	[sflag:s26] =	ssyncadd.s32 $0xFFFF8000  }
0x7e: {  	[hbm4b:s5+s28] =	stream.strided.scatter [tilespmem:s21], [sflag:$0x4], $0x8000, s25, s28, $0x38;
	[tilespmem:$0x1D000] =	vst v63  }
0x7f: {  	_ =	swait.ge [sflag:s31], $0x8000  }
0x80: {  	[sflag:s31] =	ssyncset.done $0x0  }
0x81: {  	s11 =	rddreg [dreg:$0x9];
	[sflag:s31] =	ssyncadd.s32 $0xFFFF8000  }
0x82: {  	[hbm4b:s11+s28] =	stream.strided.scatter [tilespmem:s22], [sflag:$0x5], $0x8000, s25, s28, $0x38;
	[tilespmem:$0x1D000] =	vst v63  }
0x83: {  	_ =	swait.ge [sflag:s1], $0x8000  }
0x84: {  	[sflag:s1] =	ssyncset.done $0x0  }
0x85: {  	s4 =	sadd.s32 $0x1, s4;
	[sflag:s1] =	ssyncadd.s32 $0xFFFF8000  }
0x86: {  	p0 =	sne.s32 s4, s12;
	_ =	swait.ge [sflag:s0], $0x8000  }
.Ltmp1:
0x87: {  	[sflag:s0] =	ssyncset.done $0x0;
	(pc) =	sbr.rel @p0 .LBB2_1-.Ltmp1, $4  }
0x88: {  	[sflag:s0] =	ssyncadd.s32 $0xFFFF8000  }
0x89: {  	_ =	swait.ge [sflag:s29], $0x8000  }
0x8a: {  	[sflag:s29] =	ssyncset.done $0x0  }
0x8b: {  	[sflag:s29] =	ssyncadd.s32 $0xFFFF8000  }
0x8c: {  	_ =	sfence.sel $0x180000  }
0x8d: {  	[bflag:$0x0] =	sbarrier.arrive $0xFFFF  }
0x8e: {  	_ =	strace $0x90000047  }
0x8f: {  	s0 =	stileid.u32;
	[bflag:$0x2] =	sbarrier.arrive $0xFFFF  }
0x90: {  	p0 =	sne.s32 s0, $0x0;
	s0 =	rddreg [dreg:$0x2]  }
0x91: {  	s0 =	sadd.s32 @!p0 $0x100000, s0  }
0x92: {  	[sflag:s0] =	ssyncadd.tile.s32 @!p0 $0x1;
	_ =	shalt  }
.Lfunc_end2:
_tile_overlayer_lowered:
.L_overlay_start_2:
0x93: {  	(tag) =	ssettag $0x2  }
0x94: {  	s0 =	rddreg [dreg:$0x0];
	s2 =	stileid.u32  }
0x95: {  	s1 =	rddreg [dreg:$0x1];
	p0 =	sne.s32 s2, $0x0  }
0x96: {  	s3 =	rddreg [dreg:$0x2];
	[bflag:$0x3] =	sbarrier.arrive $0xFFFF;
	s2 =	simm.s32 @!p0 $0x1C07  }
0x97: {  	[timem:s3], [sflag:s2] =	dma.local @!p0 [hbm:s0], s1  }
0x98: {  	s0 =	simm.s32 @!p0 $0x7  }
0x99: {  	_ =	swait.ge @!p0 [sflag:s0], s1  }
0x9a: {  	s1 =	ssub.s32 @!p0 $0x0, s1;
	[sflag:s0] =	ssyncset.done @!p0 $0x0  }
0x9b: {  	[sflag:s0] =	ssyncadd.s32 @!p0 s1  }
0x9c: {  	[bflag:$0x3] =	sbarrier.arrive $0xFFFF  }
0x9d: {  	_ =	shalt  }

// kernel: sparse-core-data-format-call.cloned.1.call-start
scs
called_computation_lowered:
.L_overlay_start_0:
0x0: {  	s2 =	sld [smem:$0x3FD9]  }
0x1: {  	s3 =	sld [smem:$0x3FFE];
	_ =	sdelay $0x1  }
0x2: {  	s1 =	srdreg.scid  }
0x3: {  	s0 =	sand.u32 $0x1, s1  }
0x4: {  	s18 =	sshll.u32 s0, $0xA;
	s2 =	sadd.s32 s3, s2  }
0x5: {  	s2 =	sadd.s32 s2, s18  }
0x6: {  	[smem:$0x3FC5] =	sst s2  }
0x7: {  	_ = 	snop  }
0x8: {  	s2 =	sld [smem:$0x3FD0];
	(tm) =	ssettm $0x1  }
0x9: {  	s19 =	sld [smem:$0x3FFB];
	_ =	sdelay $0x3  }
0xa: {  	_ =	strace s19  }
0xb: {  	s3 =	sld [smem:$0x3FFC];
	_ =	sdelay $0x3  }
0xc: {  	_ =	strace s3  }
0xd: {  	s3 =	sld [smem:$0x3FFD];
	_ =	sdelay $0x3  }
0xe: {  	_ =	strace s3  }
0xf: {  	_ =	strace $0x8FFFFFFF  }
0x10: {  	s20 =	sld [smem:$0x3FDB];
	_ =	sdelay $0x1  }
0x11: {  	s4 =	simm.s32 $_scs_section_size  }
0x12: {  	s5 =	simm.s32 $_size__tile_overlayer_lowered;
	s6 =	simm.s32 $_tile_overlayer_lowered  }
0x13: {  	s23 =	simm.s32 $0x1BFF;
	s22 =	sshll.u32 s6, $0x1;
	s3 =	sadd.s32 s4, s20  }
0x14: {  	s7 =	simm.s32 $0x0;
	s21 =	sshll.u32 s5, $0x1;
	s5 =	sadd.s32 s22, s3  }
0x15: {  	[timem:s7], [sflag:s23] =	dma.local [hbm:s5], s21  }
0x16: {  	_ =	swait.ge [sflag:s23], s21  }
0x17: {  	s4 =	ssub.s32 $0x0, s21;
	[sflag:s23] =	ssyncset.done $0x0  }
0x18: {  	[sflag:s23] =	ssyncadd.s32 s4;
	_ =	sdelay $0x1  }
0x19: {  	s24 =	simm.s32 $0x1B8B  }
0x1a: {  	_ =	swait.ge [sflag:s24], $0x1  }
0x1b: {  	[sflag:s24] =	ssyncset.done $0x0  }
0x1c: {  	s26 =	simm.s32 $0x1B8E;
	s25 =	sld [smem:$0x3FFE];
	[sflag:s24] =	ssyncadd.s32 $0xFFFFFFFF  }
0x1d: {  	s27 =	simm.s32 $execute0_lowered;
	[smem:$0x3FD2] =	sst s26  }
0x1e: {  	s5 =	sshll.u32 s27, $0x1;
	_ =	strace $0x80000049;
	[dreg:$0x1] =	wrdreg $0xFFFFFFFF  }
0x1f: {  	s28 =	simm.s32 $_size_execute0_lowered;
	s3 =	sadd.s32 s3, s5;
	[dreg:$0x0] =	wrdreg $0x0  }
0x20: {  	s5 =	sshll.u32 s28, $0x1;
	[dreg:$0x2] =	wrdreg s3  }
0x21: {  	[dreg:$0x3] =	wrdreg s5  }
0x22: {  	[dreg:$0x4] =	wrdreg $0xC0  }
0x23: {  	_ =	task [dreg:s7], $0x5FFFF  }
0x24: {  	[dreg:$0x1] =	wrdreg $0xFFFFFFFF  }
0x25: {  	[dreg:$0x0] =	wrdreg $0x60  }
0x26: {  	[dreg:$0x2] =	wrdreg s25  }
0x27: {  	[dreg:$0x3] =	wrdreg s2  }
0x28: {  	[dreg:$0x4] =	wrdreg $0x9  }
0x29: {  	_ =	task.clear_ibuf [dreg:s7], $0x5FFFF;
	_ =	strace $0x90000049  }
0x2a: {  	s29 =	simm.s32 $0x9;
	_ =	strace $0x8000004B  }
0x2b: {  	_ =	swait.ge [sflag:s29], $0x1  }
0x2c: {  	[sflag:s29] =	ssyncadd.s32 $0xFFFFFFFF  }
0x2d: {  	_ =	strace $0x9000004B  }
0x2e: {  	_ =	sfence  }
0x2f: {  	s30 =	sld [smem:$0x0];
	_ =	sdelay $0x2  }
0x30: {  	s31 =	sshll.u32 s1, $0xD;
	s1 =	sshrl.u32 s1, $0x2  }
0x31: {  	s3 =	sand.u32 $0x4000, s31;
	s1 =	sadd.s32 s1, s30  }
0x32: {  	s0 =	sor.u32 s3, s0;
	s1 =	sshll.u32 s1, $0x11  }
0x33: {  	s0 =	sor.u32 s1, s0  }
0x34: {  	s0 =	sadd.s32 $0x8F2B, s0  }
0x35: {  	[sflag:s0] =	ssyncadd.remote.s32 $0x1  }
0x36: {  	_ =	sfence.sel $0xFFFF  }
0x37: {  	[dreg:$0x0] =	wrdreg $0xFFFFFFFF;
	(pc) =	sbr.abs _section_cstart, $3  }
0x38: {  	[dreg:$0x1] =	wrdreg $0xFFFFFFFF  }
0x39: {  	_ =	task.clear_ibuf [dreg:s7], $0x2FFFF;
	_ =	strace $0x9FFFFFFF  }
0x3a: {  	(tm) =	ssettm $0x7FFFFFFF  }
0x3b: {  	_ =	shalt  }
tec
execute0_lowered:
.L_overlay_start_1:
0x0: {  	(tag) =	ssettag $0x1  }
0x1: {  	s0 =	srdreg.scid  }
0x2: {  	s1 =	sshll.u32 s0, $0x4  }
0x3: {  	s6 =	rddreg [dreg:$0x0];
	s0 =	stileid.u32;
	s1 =	sand.u32 $0x10, s1  }
0x4: {  	s3 =	rddreg [dreg:$0x1];
	s1 =	sor.u32 s0, s1  }
0x5: {  	s5 =	simm.s32 $0x1;
	s31 =	simm.s32 $0x2;
	s2 =	sshll.u32 s1, $0x7  }
0x6: {  	s15 =	simm.s32 $0x0;
	s8 =	simm.s32 $0x20000;
	s4 =	ssub.s32 $0x4000, s2  }
0x7: {  	s14 =	simm.s32 $0x0;
	s9 =	simm.s32 $0x0;
	s30 =	sand.u32 $0xF80, s4  }
0x8: {  	s10 =	simm.s32 $0x0;
	s11 =	simm.s32 $0x0;
	p0 =	sne.s32 s30, $0x0  }
.Ltmp0:
0x9: {  	s7 =	sshrl.u32 s4, $0xC;
	s5 =	simm.s32 @!p0 $0x0;
	(pc) =	sbr.rel .LBB1_1-.Ltmp0, $4  }
0xa: {  	s13 =	simm.s32 $0x0;
	s1 =	rddreg [dreg:$0x2];
	s5 =	sadd.s32 s5, s7  }
0xb: {  	_ =	strace $0x8000004A;
	s4 =	simm.s32 $0x1;
	s5 =	smul.u32 $0xB, s5  }
0xc: {  	s6 =	sadd.s32 $0x800, s6;
	s12 =	smov.u32 s2;
	[sflag:s4] =	ssyncpa.u1 $0x0  }
0xd: {  	[sflag:s31] =	ssyncpa.u1 $0x0;
	p0 =	por $0x0, $0x0;
	s7 =	sadd.s32 $0x1, s5  }
.LBB1_4:
0xe: {  	s20 =	sshra.s32 s20, $0x2  }
0xf: {  	s28 =	sand.u32 $0x78, s10;
	s21 =	sshll.u32 s9, $0xE;
	s22 =	sshll.u32 s10, $0x3  }
0x10: {  	s24 =	sshll.u32 s9, $0x7;
	p1 =	sgt.s32 s9, $0x4A8;
	s30 =	sshra.s32 s9, $0x1F  }
0x11: {  	s26 =	sshra.s32 s10, $0x1F;
	s19 =	sadd.s32 s20, s19;
	s21 =	sand.u32 $0xFFFE0000, s21  }
0x12: {  	v5 =	vld [tilespmem:s17+$0xFFFFFFD0];
	[tilespmem:s18+$0x2040 ss:$0x81] =	vst.msk $0xffff, v4;
	s23 =	sand.u32 $0xFFFFFC00, s22;
	s29 =	sand.u32 $0x380, s24;
	s22 =	sand.u32 $0x3C00, s22  }
0x13: {  	v58 =	vld [tilespmem:s17+$0xFFFFFFE0];
	[tilespmem:s18+$0x2850 ss:$0x81] =	vst.msk $0xffff, v3;
	s21 =	sadd.s32 s23, s21;
	s20 =	sor.u32 s28, s22;
	s22 =	smov.u32 s9  }
0x14: {  	v59 =	vld [tilespmem:s17+$0xFFFFFFF0];
	[tilespmem:s18+$0x3060 ss:$0x81] =	vst.msk $0xffff, v2;
	s24 =	sand.u32 s30, s9;
	s21 =	sshrl.u32 s21, $0xE;
	s22 =	simm.s32 @!p1 $0x4A8  }
0x15: {  	v60 =	vld [tilespmem:s17+$0x0];
	[tilespmem:s18+$0x0 ss:$0x81] =	vst.msk $0xffff, v1;
	p1 =	sgt.s32 s10, $0x3F80;
	s31 =	ssub.s32 s22, s24;
	s22 =	smov.u32 s10  }
0x16: {  	v61 =	vld [tilespmem:s17+$0x10];
	[tilespmem:s19+$0x3870 ss:$0x81] =	vst.msk $0xffff, v0;
	s25 =	smulhi.u32 $0x31A604, s21;
	s24 =	sand.u32 s26, s10;
	s22 =	simm.s32 @!p1 $0x3F80  }
0x17: {  	v62 =	vld [tilespmem:s17+$0x20];
	s20 =	sor.u32 s29, s20;
	[tilespmem:s19+$0x810 ss:$0x81] =	vst.msk $0xffff, v5;
	s27 =	sadd.s32 $0xFFFFFB58, s31;
	s22 =	ssub.s32 s22, s24  }
0x18: {  	v63 =	vld [tilespmem:s17+$0xFFFFFFC0];
	[tilespmem:s19+$0x1020 ss:$0x81] =	vst.msk $0xffff, v58;
	s18 =	ssub.s32 $0x528, s31;
	s28 =	smul.u32 $0x528, s25;
	s29 =	sadd.s32 $0xFFFFC080, s22  }
0x19: {  	[tilespmem:s19+$0x1830 ss:$0x81] =	vst.msk $0xffff, v59;
	p1 =	sgt.s32 s27, $0x7F;
	s22 =	ssub.s32 $0x4000, s22;
	p2 =	sgt.s32 s29, $0x7F  }
0x1a: {  	s30 =	sand.u32 $0x7, s10;
	[tilespmem:s19+$0x2040 ss:$0x81] =	vst.msk $0xffff, v60;
	s18 =	simm.s32 @p1 $0x0;
	s22 =	simm.s32 @p2 $0x0  }
0x1b: {  	s20 =	sshrl.u32 s20, $0x3;
	[tilespmem:s19+$0x2850 ss:$0x81] =	vst.msk $0xffff, v61;
	s17 =	ssub.s32 s21, s28;
	s18 =	smul.u32 s22, s18  }
0x1c: {  	[tilespmem:s19+$0x3060 ss:$0x81] =	vst.msk $0xffff, v62;
	s20 =	sadd.s32 s3, s20;
	s21 =	sshll.u32 s30, $0x12;
	s17 =	sshll.u32 s17, $0xB  }
0x1d: {  	[tilespmem:s19+$0x0 ss:$0x81] =	vst.msk $0xffff, v63;
	s31 =	sor.u32 $0x400, s21;
	s17 =	sadd.s32 s17, s20;
	s18 =	sand.u32 $0x3FFFFFFF, s18  }
0x1e: {  	[hbm4b:s17+s31] =	stream.strided.scatter [tilespmem:s16], [sflag:$0x2], s18, s8, s31, $0x20;
	[tilespmem:$0x10100] =	vst v63  }
.LBB1_5:
0x1f: {  	p1 =	slt.u32 s13, $0x2  }
0x20: {  	s17 =	smov.u32 s15;
	p2 =	sgt.s32 @!p1 s15, $0x4A8;
	s16 =	sshra.s32 @!p1 s15, $0x1F  }
0x21: {  	p3 =	sgt.s32 @!p1 s14, $0x3F80;
	s18 =	sshra.s32 @!p1 s14, $0x1F;
	p2 =	por !p2, p1  }
0x22: {  	s15 =	sand.u32 @!p1 s16, s15;
	p3 =	por !p3, p1;
	s16 =	smov.u32 s14  }
0x23: {  	s14 =	sand.u32 @!p1 s18, s14;
	s17 =	simm.s32 @p2 $0x4A8;
	s16 =	simm.s32 @p3 $0x3F80  }
0x24: {  	s15 =	ssub.s32 @!p1 s17, s15;
	s14 =	ssub.s32 @!p1 s16, s14  }
0x25: {  	s18 =	smov.u32 s12;
	s16 =	sadd.s32 @!p1 $0xFFFFFB58, s15;
	s17 =	sadd.s32 @!p1 $0xFFFFC080, s14  }
0x26: {  	s15 =	ssub.s32 @!p1 $0x528, s15;
	p2 =	sgt.s32 @!p1 s16, $0x7F;
	p3 =	sgt.s32 @!p1 s17, $0x7F  }
0x27: {  	s14 =	ssub.s32 @!p1 $0x4000, s14;
	p2 =	por !p2, p1;
	p3 =	por !p3, p1  }
0x28: {  	s16 =	sadd.s32 $0x80, s11;
	s15 =	simm.s32 @!p2 $0x0;
	s14 =	simm.s32 @!p3 $0x0  }
0x29: {  	p2 =	sgt.s32 s16, $0x527;
	s14 =	smul.u32 @!p1 s14, s15;
	s15 =	sadd.s32 $0x1000, s12  }
0x2a: {  	s18 =	smov.u32 @p2 s15  }
0x2b: {  	s16 =	simm.s32 @p2 $0x0;
	p2 =	sgt.s32 s18, $0x3FFF  }
0x2c: {  	s18 =	smov.u32 @p2 s2;
	p2 =	sne.s32 s13, s7  }
.Ltmp1:
0x2d: {  	p0 =	por !p0, !p0;
	s17 =	simm.s32 @!p1 $0x2;
	(pc) =	sbr.rel @!p2 .LBB1_6-.Ltmp1, $4  }
0x2e: {  	s15 =	smov.u32 s9;
	s9 =	smov.u32 s11;
	s14 =	sand.u32 @!p1 $0x3FFFFFFF, s14  }
0x2f: {  	s11 =	smov.u32 s16;
	_ =	swait.ge @!p1 [sflag:s17], s14;
	s19 =	ssub.s32 @!p1 $0x0, s14  }
0x30: {  	s14 =	smov.u32 s10;
	s13 =	sadd.s32 $0x1, s13;
	[sflag:s17] =	ssyncset.done @!p1 $0x0  }
0x31: {  	s10 =	smov.u32 s12;
	s12 =	smov.u32 s18;
	[sflag:s17] =	ssyncadd.s32 @!p1 s19  }
.LBB1_1:
0x32: {  	p1 =	sge.u32 s13, s5  }
0x33: {  	s16 =	sshrl.u32 @!p1 s12, $0x3  }
0x34: {  	s17 =	sshll.u32 @!p1 s11, $0x3;
	s16 =	smul.u32 @!p1 $0x2C00, s16  }
0x35: {  	s18 =	sshll.u32 @!p1 s12, $0x7;
	s17 =	sand.u32 @!p1 $0xFFFFFC00, s17  }
0x36: {  	s16 =	sadd.s32 @!p1 s16, s17;
	s17 =	sand.u32 @!p1 $0x380, s18  }
0x37: {  	s18 =	sand.u32 @!p1 $0x7F, s11;
	s16 =	sor.u32 @!p1 s17, s16  }
0x38: {  	s17 =	sor.u32 @!p1 s18, s16  }
0x39: {  	s18 =	smulhi.u32 @!p1 $0xBA2E8BA3, s17;
	_ =	sdelay $0x1  }
0x3a: {  	s16 =	smulhi.u32 @!p1 $0xBA2E8BA3, s16;
	s18 =	sshrl.u32 @!p1 s18, $0xA  }
0x3b: {  	s18 =	smul.u32 @!p1 $0x580, s18  }
0x3c: {  	s31 =	sadd.s32 $0xFFFFFFFF, s13;
	s19 =	sxor.u32 @!p1 $0xFFFFFFFF, s13;
	s16 =	sshrl.u32 @!p1 s16, $0xA  }
0x3d: {  	s19 =	sshll.u32 @!p1 s19, $0xE;
	s16 =	sand.u32 @!p1 $0x3FFF, s16;
	s17 =	ssub.s32 @!p1 s17, s18  }
0x3e: {  	s16 =	smul.u32 @!p1 $0xB0, s16;
	s18 =	sshrl.u32 @!p1 s17, $0x3;
	s17 =	sand.u32 @!p1 $0x7, s17  }
0x3f: {  	s19 =	sand.u32 @!p1 $0x4000, s19;
	s18 =	sadd.s32 @!p1 s6, s18;
	s17 =	sshll.u32 @!p1 s17, $0x12  }
0x40: {  	s16 =	sadd.s32 @!p1 s16, s18;
	s17 =	sor.u32 @!p1 $0x400, s17;
	s18 =	simm.s32 @!p1 $0x2C00  }
0x41: {  	[tilespmem:s19], [sflag:$0x1] =	stream.strided.gather @!p1 [hbm4b:s16+s17], $0x4000, s18, s17, $0x38;
	[tilespmem:$0x10100] =	vst v63  }
0x42: {  	p1 =	sge.u32 s31, s5  }
.Ltmp2:
0x43: {  	_ = 	snop;
	(pc) =	sbr.rel @p1 .LBB1_5-.Ltmp2, $1  }
0x44: {  	_ =	sdelay $0x3  }
0x45: {  	s16 =	simm.s32 $0x1  }
0x46: {  	_ =	swait.ge [sflag:s4], $0x4000;
	s16 =	simm.s32 @!p0 $0x0  }
0x47: {  	[sflag:s4] =	ssyncset.done $0x0;
	s17 =	sshll.u32 s16, $0xE  }
0x48: {  	[sflag:s4] =	ssyncadd.s32 $0xFFFFC000;
	s17 =	sor.u32 $0x40, s17  }
0x49: {  	s16 =	smul.u32 $0x10200, s16;
	v0 =	vld [tilespmem:s17+$0x30]  }
0x4a: {  	v1 =	vld [tilespmem:s17+$0xFFFFFFD0]  }
0x4b: {  	s16 =	sshrl.u32 s16, $0x2;
	v5 =	vld [tilespmem:s17+$0xFFFFFFE0]  }
0x4c: {  	v6 =	vld [tilespmem:s17+$0xFFFFFFF0];
	s19 =	sor.u32 $0x8000, s16  }
0x4d: {  	s31 =	sand.u32 $0x1, s13;
	v4 =	vld [tilespmem:s17+$0x0];
	s18 =	sadd.s32 $0x0, s19  }
0x4e: {  	v3 =	vld [tilespmem:s17+$0x10];
	s16 =	smul.u32 $0x10200, s31;
	[tilespmem:s18+$0x3870 ss:$0x81] =	vst.msk $0xffff, v0  }
0x4f: {  	v2 =	vld [tilespmem:s17+$0x20];
	[tilespmem:s18+$0x810 ss:$0x81] =	vst.msk $0xffff, v1  }
0x50: {  	s16 =	sshrl.u32 s16, $0x2;
	v1 =	vld [tilespmem:s17+$0xFFFFFFC0];
	[tilespmem:s18+$0x1020 ss:$0x81] =	vst.msk $0xffff, v5;
	s17 =	sadd.s32 $0x80, s17  }
0x51: {  	s20 =	simm.s32 $0x4;
	s21 =	simm.s32 $0x8;
	s16 =	sor.u32 $0x8000, s16;
	[tilespmem:s18+$0x1830 ss:$0x81] =	vst.msk $0xffff, v6;
	v0 =	vld [tilespmem:s17+$0x30]  }
.LBB1_3:
0x52: {  	p1 =	sne.s32 s21, $0x1FC;
	v5 =	vld [tilespmem:s17+$0xFFFFFFD0];
	[tilespmem:s18+$0x2040 ss:$0x81] =	vst.msk $0xffff, v4  }
0x53: {  	v6 =	vld [tilespmem:s17+$0xFFFFFFE0];
	[tilespmem:s18+$0x2850 ss:$0x81] =	vst.msk $0xffff, v3  }
0x54: {  	s22 =	sshra.s32 s20, $0x2;
	s20 =	smov.u32 s21;
	v7 =	vld [tilespmem:s17+$0xFFFFFFF0];
	[tilespmem:s18+$0x3060 ss:$0x81] =	vst.msk $0xffff, v2  }
.Ltmp3:
0x55: {  	v4 =	vld [tilespmem:s17+$0x0];
	[tilespmem:s18+$0x0 ss:$0x81] =	vst.msk $0xffff, v1;
	s18 =	sadd.s32 s22, s19;
	(pc) =	sbr.rel @p1 .LBB1_3-.Ltmp3, $4  }
0x56: {  	v3 =	vld [tilespmem:s17+$0x10];
	[tilespmem:s18+$0x3870 ss:$0x81] =	vst.msk $0xffff, v0  }
0x57: {  	[tilespmem:s18+$0x810 ss:$0x81] =	vst.msk $0xffff, v5;
	v2 =	vld [tilespmem:s17+$0x20]  }
0x58: {  	v1 =	vld [tilespmem:s17+$0xFFFFFFC0];
	[tilespmem:s18+$0x1020 ss:$0x81] =	vst.msk $0xffff, v6;
	s17 =	sadd.s32 $0x80, s17  }
0x59: {  	s21 =	sadd.s32 $0x4, s21;
	v0 =	vld [tilespmem:s17+$0x30];
	[tilespmem:s18+$0x1830 ss:$0x81] =	vst.msk $0xffff, v7  }
.Ltmp4:
0x5a: {  	_ = 	snop;
	(pc) =	sbr.rel .LBB1_4-.Ltmp4, $1  }
0x5b: {  	_ =	sdelay $0x3  }
.LBB1_6:
0x5c: {  	_ =	sfence.sel $0x180000  }
0x5d: {  	s2 =	simm.s32 $0x1;
	[bflag:$0x0] =	sbarrier.arrive $0xFFFF  }
0x5e: {  	s31 =	simm.s32 $0x2;
	[sflag:s2] =	ssyncpa.u1 $0x1  }
0x5f: {  	[sflag:s31] =	ssyncpa.u1 $0x1  }
0x60: {  	p0 =	sne.s32 s0, $0x0;
	_ =	strace $0x9000004A  }
0x61: {  	s0 =	sadd.s32 @!p0 $0x100000, s1;
	[bflag:$0x2] =	sbarrier.arrive $0xFFFF  }
0x62: {  	[sflag:s0] =	ssyncadd.tile.s32 @!p0 $0x1;
	_ =	shalt  }
.Lfunc_end1:
_tile_overlayer_lowered:
.L_overlay_start_2:
0x63: {  	(tag) =	ssettag $0x2  }
0x64: {  	s0 =	rddreg [dreg:$0x0];
	s2 =	stileid.u32  }
0x65: {  	s1 =	rddreg [dreg:$0x1];
	p0 =	sne.s32 s2, $0x0  }
0x66: {  	s3 =	rddreg [dreg:$0x2];
	[bflag:$0x3] =	sbarrier.arrive $0xFFFF;
	s2 =	simm.s32 @!p0 $0x1C01  }
0x67: {  	[timem:s3], [sflag:s2] =	dma.local @!p0 [hbm:s0], s1  }
0x68: {  	s0 =	simm.s32 @!p0 $0x1  }
0x69: {  	_ =	swait.ge @!p0 [sflag:s0], s1  }
0x6a: {  	s1 =	ssub.s32 @!p0 $0x0, s1;
	[sflag:s0] =	ssyncset.done @!p0 $0x0  }
0x6b: {  	[sflag:s0] =	ssyncadd.s32 @!p0 s1  }
0x6c: {  	[bflag:$0x3] =	sbarrier.arrive $0xFFFF  }
0x6d: {  	_ =	shalt  }

</sc_bundles>
